<compile_context>
chip_gen: v7x
topology: tpu7x:2x2x1
jax: 0.10.2.dev20260603
libtpu: 0.0.44.dev20260713+nightly
codegen_flags: <defaults>
</compile_context>

<pallas_src>
import functools

import jax
import jax.numpy as jnp
from jax import lax
from jax.experimental import pallas as pl
from jax.experimental.pallas import tpu as pltpu
from jax.experimental.pallas import tpu_sc as plsc

SEQ_LEN = 2048
D_MODEL = 1024
BATCH = 32
N_WALKERS = 32

NUM_WORKERS = 32
ROWS = SEQ_LEN * BATCH
ROWS_PER_WORKER = ROWS // NUM_WORKERS
CHUNK = 16
NCHUNKS = ROWS_PER_WORKER // CHUNK
NBUF = 2


def _sc_body(x_hbm, ids_hbm, pe_hbm, out_hbm,
             ids_v, pe_v, x_v, o_v, insem0, insem1, outsem0, outsem1):
    insems = (insem0, insem1)
    outsems = (outsem0, outsem1)

    wid = lax.axis_index("c") * 16 + lax.axis_index("s")
    row0 = wid * ROWS_PER_WORKER

    pltpu.sync_copy(ids_hbm, ids_v)
    ids_half = (ids_v[pl.ds(0, CHUNK)], ids_v[pl.ds(CHUNK, CHUNK)])

    def issue_in(base, b):
        idx = ids_half[b] + (base - b * CHUNK)
        pltpu.async_copy(pe_hbm.at[idx], pe_v.at[b], insems[b])
        pltpu.async_copy(x_hbm.at[pl.ds(base, CHUNK)], x_v.at[b], insems[b])

    def wait_in(base, b):
        idx = ids_half[b] + (base - b * CHUNK)
        pltpu.make_async_copy(pe_hbm.at[idx], pe_v.at[b], insems[b]).wait()
        pltpu.make_async_copy(
            x_hbm.at[pl.ds(base, CHUNK)], x_v.at[b], insems[b]).wait()

    def wait_out(base, b):
        for h in range(2):
            pltpu.make_async_copy(
                o_v.at[b].at[pl.ds(h * 8, 8)],
                out_hbm.at[pl.ds(base + h * 8, 8)], outsems[b]).wait()

    for b in range(NBUF):
        issue_in(row0 + b * CHUNK, b)

    @pl.loop(0, NCHUNKS, step=NBUF)
    def _(g):
        for b in range(NBUF):
            chunk = g + b
            base = row0 + chunk * CHUNK
            wait_in(base, b)

            @pl.when(chunk >= NBUF)
            def _():
                wait_out(base, b)

            for h in range(2):
                @pl.loop(0, D_MODEL // 16)
                def _(j):
                    col = pl.ds(j * 16, 16)
                    for r in range(h * 8, h * 8 + 8):
                        o_v[b, r, col] = pe_v[b, r, col] + x_v[b, r, col]

                pltpu.async_copy(o_v.at[b].at[pl.ds(h * 8, 8)],
                                 out_hbm.at[pl.ds(base + h * 8, 8)],
                                 outsems[b])

            @pl.when(chunk + NBUF < NCHUNKS)
            def _():
                issue_in(base + NBUF * CHUNK, b)

    for b in range(NBUF):
        wait_out(row0 + (NCHUNKS - NBUF + b) * CHUNK, b)


@jax.jit
def kernel(x, unimal_ids, pe):
    S, B, D = x.shape
    W = pe.shape[1]
    x2 = x.reshape(S * B, D)
    pe2 = pe.reshape(S * W, D)
    ids = unimal_ids.astype(jnp.int32)

    call = pl.kernel(
        _sc_body,
        out_type=jax.ShapeDtypeStruct((S * B, D), jnp.float32),
        mesh=plsc.VectorSubcoreMesh(core_axis_name="c", subcore_axis_name="s"),
        scratch_types=[
            pltpu.VMEM((BATCH,), jnp.int32),
            pltpu.VMEM((NBUF, CHUNK, D_MODEL), jnp.float32),
            pltpu.VMEM((NBUF, CHUNK, D_MODEL), jnp.float32),
            pltpu.VMEM((NBUF, CHUNK, D_MODEL), jnp.float32),
            pltpu.SemaphoreType.DMA,
            pltpu.SemaphoreType.DMA,
            pltpu.SemaphoreType.DMA,
            pltpu.SemaphoreType.DMA,
        ],
    )
    out2 = call(x2, ids, pe2)
    return out2.reshape(S, B, D)

# --- scband reference (transcript-rebuilt; emitter-appended) ---
"""Pipeline reference for scband-separate-peencoder-30064771072648 (READ-ONLY COPY).

The authoritative reference and input builder live on the scoring server;
editing this copy changes nothing except your own understanding.
"""

import jax, jax.numpy as jnp
import numpy as np

SEQ_LEN = 2048
D_MODEL = 1024
BATCH = 32
N_WALKERS = 32

def setup_inputs(seed: int = 0) -> dict:
    key = jax.random.key(seed)
    k1, k2, k3 = jax.random.split(key, 3)
    x = jax.random.normal(k1, (SEQ_LEN, BATCH, D_MODEL), dtype=jnp.float32)
    unimal_ids = jax.random.randint(k2, (BATCH,), 0, N_WALKERS, dtype=jnp.int64 if jax.config.jax_enable_x64 else jnp.int32)
    pe = jax.random.normal(k3, (SEQ_LEN, N_WALKERS, D_MODEL), dtype=jnp.float32)
    return {"x": x, "unimal_ids": unimal_ids, "pe": pe}

def reference(x, unimal_ids, pe):
    # pe[:, unimal_ids, :] gathers a per-sample positional encoding, then adds.
    gathered = jnp.take(pe, unimal_ids, axis=1)  # [seq_len, batch, d_model]
    return x + gathered

if __name__ == "__main__":
    import jax
    _d = setup_inputs()
    print(jax.jit(kernel)(*tuple(_d.values())))

</pallas_src>

<mosaic_0001>
#map = affine_map<(d0, d1) -> (0, 0)>
#map1 = affine_map<(d0, d1) -> (0)>
module attributes {stable_mosaic.version = 14 : i64} {
  func.func @_sc_body(%arg0: i32, %arg1: i32, %arg2: memref<65536x1024xf32, #tpu.memory_space<hbm>>, %arg3: memref<32xi32, #tpu.memory_space<hbm>>, %arg4: memref<65536x1024xf32, #tpu.memory_space<hbm>>, %arg5: memref<65536x1024xf32, #tpu.memory_space<hbm>>, %arg6: memref<32xi32, #tpu.memory_space<vmem>>, %arg7: memref<2x16x1024xf32, #tpu.memory_space<vmem>>, %arg8: memref<2x16x1024xf32, #tpu.memory_space<vmem>>, %arg9: memref<2x16x1024xf32, #tpu.memory_space<vmem>>, %arg10: memref<!tpu.dma_semaphore, #tpu.memory_space<semaphore_mem>>, %arg11: memref<!tpu.dma_semaphore, #tpu.memory_space<semaphore_mem>>, %arg12: memref<!tpu.dma_semaphore, #tpu.memory_space<semaphore_mem>>, %arg13: memref<!tpu.dma_semaphore, #tpu.memory_space<semaphore_mem>>) attributes {dimension_semantics = [#tpu.dimension_semantics<core_parallel>, #tpu.dimension_semantics<subcore_parallel>], iteration_bounds = array<i64: 2, 16>, scalar_prefetch = 0 : i64, scratch_operands = 8 : i64, tpu.core_type = #tpu.core_type<sc_vector_subcore>, window_params = [{transform_indices = #map}, {transform_indices = #map1}, {transform_indices = #map}, {transform_indices = #map}]} {
    %mul3A = arith.constant 16 : i32
    %mul3A_0 = arith.muli %arg0, %mul3A : i32
    %add3A = arith.addi %mul3A_0, %arg1 : i32
    %mul3A_1 = arith.constant 2048 : i32
    %mul3A_2 = arith.muli %add3A, %mul3A_1 : i32
    "tpu.region"() ({
      %run_scoped3A = tpu.sem_alloc : memref<!tpu.dma_semaphore, #tpu.memory_space<semaphore_mem>>
      tpu.enqueue_dma source(%arg3 : memref<32xi32, #tpu.memory_space<hbm>>) target(%arg6 : memref<32xi32, #tpu.memory_space<vmem>>) target_semaphore(%run_scoped3A : memref<!tpu.dma_semaphore, #tpu.memory_space<semaphore_mem>>)
      tpu.wait_dma2 semaphore(%run_scoped3A : memref<!tpu.dma_semaphore, #tpu.memory_space<semaphore_mem>>) src(%arg3 : memref<32xi32, #tpu.memory_space<hbm>>) dst(%arg6 : memref<32xi32, #tpu.memory_space<vmem>>)
      tpu.yield
    }) : () -> ()
    %get3A = arith.constant 0 : index
    %get3A_3 = tpu.vector_load %arg6[%get3A] {strides = array<i32>} : memref<32xi32, #tpu.memory_space<vmem>>, vector<16xi32>,
    %get3A_4 = vector.shape_cast %get3A_3 : vector<16xi32> to vector<16xi32>
    %get3A_5 = arith.constant 16 : index
    %get3A_6 = tpu.vector_load %arg6[%get3A_5] {strides = array<i32>} : memref<32xi32, #tpu.memory_space<vmem>>, vector<16xi32>,
    %get3A_7 = vector.shape_cast %get3A_6 : vector<16xi32> to vector<16xi32>
    %add3A_8 = arith.constant 0 : i32
    %add3A_9 = arith.addi %mul3A_2, %add3A_8 : i32
    %sub3A = arith.constant 0 : i32
    %sub3A_10 = arith.subi %add3A_9, %sub3A : i32
    %add3A_11 = vector.broadcast %sub3A_10 : i32 to vector<16xi32>
    %add3A_12 = arith.addi %get3A_4, %add3A_11 : vector<16xi32>
    %dma_start3A = arith.constant 0 : i32
    %dma_start3A_13 = arith.constant 0 : i32
    %dma_start3A_14 = arith.constant 0 : i32
    %dma_start3A_15 = tpu.memref_slice %arg7[%dma_start3A, %dma_start3A_13, %dma_start3A_14] : memref<2x16x1024xf32, #tpu.memory_space<vmem>> -> memref<1x16x1024xf32, #tpu.memory_space<vmem>>
    %dma_start3A_16 = tpu.memref_squeeze %dma_start3A_15 : memref<1x16x1024xf32, #tpu.memory_space<vmem>> -> memref<16x1024xf32, #tpu.memory_space<vmem>>
    %dma_start3A_17 = arith.constant 0 : i32
    %dma_start3A_18 = arith.constant 0 : i32
    %dma_start3A_19 = tpu.memref_slice %arg4[%dma_start3A_17, %dma_start3A_18] : memref<65536x1024xf32, #tpu.memory_space<hbm>> -> memref<65536x1024xf32, #tpu.memory_space<hbm>>
    tpu.enqueue_indirect_dma source(%dma_start3A_19 : memref<65536x1024xf32, #tpu.memory_space<hbm>>) target(%dma_start3A_16 : memref<16x1024xf32, #tpu.memory_space<vmem>>) offsets(%add3A_12 : vector<16xi32>) semaphore(%arg10 : memref<!tpu.dma_semaphore, #tpu.memory_space<semaphore_mem>>)
    %dma_start3A_20 = arith.constant 0 : i32
    %dma_start3A_21 = arith.constant 0 : i32
    %dma_start3A_22 = arith.constant 0 : i32
    %dma_start3A_23 = tpu.memref_slice %arg8[%dma_start3A_20, %dma_start3A_21, %dma_start3A_22] : memref<2x16x1024xf32, #tpu.memory_space<vmem>> -> memref<1x16x1024xf32, #tpu.memory_space<vmem>>
    %dma_start3A_24 = tpu.memref_squeeze %dma_start3A_23 : memref<1x16x1024xf32, #tpu.memory_space<vmem>> -> memref<16x1024xf32, #tpu.memory_space<vmem>>
    %dma_start3A_25 = arith.constant 0 : i32
    %dma_start3A_26 = tpu.memref_slice %arg2[%add3A_9, %dma_start3A_25] : memref<65536x1024xf32, #tpu.memory_space<hbm>> -> memref<16x1024xf32, #tpu.memory_space<hbm>>
    %dma_start3A_27 = arith.constant 0 : i32
    %dma_start3A_28 = arith.constant 0 : i32
    %dma_start3A_29 = tpu.memref_slice %arg8[%dma_start3A_20, %dma_start3A_27, %dma_start3A_28] : memref<2x16x1024xf32, #tpu.memory_space<vmem>> -> memref<1x16x1024xf32, #tpu.memory_space<vmem>>
    %dma_start3A_30 = tpu.memref_squeeze %dma_start3A_29 : memref<1x16x1024xf32, #tpu.memory_space<vmem>> -> memref<16x1024xf32, #tpu.memory_space<vmem>>
    %dma_start3A_31 = arith.constant 0 : i32
    %dma_start3A_32 = tpu.memref_slice %arg2[%add3A_9, %dma_start3A_31] : memref<65536x1024xf32, #tpu.memory_space<hbm>> -> memref<16x1024xf32, #tpu.memory_space<hbm>>
    tpu.enqueue_dma source(%dma_start3A_32 : memref<16x1024xf32, #tpu.memory_space<hbm>>) target(%dma_start3A_30 : memref<16x1024xf32, #tpu.memory_space<vmem>>) target_semaphore(%arg10 : memref<!tpu.dma_semaphore, #tpu.memory_space<semaphore_mem>>)
    %add3A_33 = arith.constant 16 : i32
    %add3A_34 = arith.addi %mul3A_2, %add3A_33 : i32
    %sub3A_35 = arith.constant 16 : i32
    %sub3A_36 = arith.subi %add3A_34, %sub3A_35 : i32
    %add3A_37 = vector.broadcast %sub3A_36 : i32 to vector<16xi32>
    %add3A_38 = arith.addi %get3A_7, %add3A_37 : vector<16xi32>
    %dma_start3A_39 = arith.constant 1 : i32
    %dma_start3A_40 = arith.constant 0 : i32
    %dma_start3A_41 = arith.constant 0 : i32
    %dma_start3A_42 = tpu.memref_slice %arg7[%dma_start3A_39, %dma_start3A_40, %dma_start3A_41] : memref<2x16x1024xf32, #tpu.memory_space<vmem>> -> memref<1x16x1024xf32, #tpu.memory_space<vmem>>
    %dma_start3A_43 = tpu.memref_squeeze %dma_start3A_42 : memref<1x16x1024xf32, #tpu.memory_space<vmem>> -> memref<16x1024xf32, #tpu.memory_space<vmem>>
    %dma_start3A_44 = arith.constant 0 : i32
    %dma_start3A_45 = arith.constant 0 : i32
    %dma_start3A_46 = tpu.memref_slice %arg4[%dma_start3A_44, %dma_start3A_45] : memref<65536x1024xf32, #tpu.memory_space<hbm>> -> memref<65536x1024xf32, #tpu.memory_space<hbm>>
    tpu.enqueue_indirect_dma source(%dma_start3A_46 : memref<65536x1024xf32, #tpu.memory_space<hbm>>) target(%dma_start3A_43 : memref<16x1024xf32, #tpu.memory_space<vmem>>) offsets(%add3A_38 : vector<16xi32>) semaphore(%arg11 : memref<!tpu.dma_semaphore, #tpu.memory_space<semaphore_mem>>)
    %dma_start3A_47 = arith.constant 1 : i32
    %dma_start3A_48 = arith.constant 0 : i32
    %dma_start3A_49 = arith.constant 0 : i32
    %dma_start3A_50 = tpu.memref_slice %arg8[%dma_start3A_47, %dma_start3A_48, %dma_start3A_49] : memref<2x16x1024xf32, #tpu.memory_space<vmem>> -> memref<1x16x1024xf32, #tpu.memory_space<vmem>>
    %dma_start3A_51 = tpu.memref_squeeze %dma_start3A_50 : memref<1x16x1024xf32, #tpu.memory_space<vmem>> -> memref<16x1024xf32, #tpu.memory_space<vmem>>
    %dma_start3A_52 = arith.constant 0 : i32
    %dma_start3A_53 = tpu.memref_slice %arg2[%add3A_34, %dma_start3A_52] : memref<65536x1024xf32, #tpu.memory_space<hbm>> -> memref<16x1024xf32, #tpu.memory_space<hbm>>
    %dma_start3A_54 = arith.constant 0 : i32
    %dma_start3A_55 = arith.constant 0 : i32
    %dma_start3A_56 = tpu.memref_slice %arg8[%dma_start3A_47, %dma_start3A_54, %dma_start3A_55] : memref<2x16x1024xf32, #tpu.memory_space<vmem>> -> memref<1x16x1024xf32, #tpu.memory_space<vmem>>
    %dma_start3A_57 = tpu.memref_squeeze %dma_start3A_56 : memref<1x16x1024xf32, #tpu.memory_space<vmem>> -> memref<16x1024xf32, #tpu.memory_space<vmem>>
    %dma_start3A_58 = arith.constant 0 : i32
    %dma_start3A_59 = tpu.memref_slice %arg2[%add3A_34, %dma_start3A_58] : memref<65536x1024xf32, #tpu.memory_space<hbm>> -> memref<16x1024xf32, #tpu.memory_space<hbm>>
    tpu.enqueue_dma source(%dma_start3A_59 : memref<16x1024xf32, #tpu.memory_space<hbm>>) target(%dma_start3A_57 : memref<16x1024xf32, #tpu.memory_space<vmem>>) target_semaphore(%arg11 : memref<!tpu.dma_semaphore, #tpu.memory_space<semaphore_mem>>)
    %scan3A = arith.constant 0 : i32
    %scan3A_60 = arith.constant 64 : i32
    %scan3A_61 = arith.addi %scan3A, %scan3A_60 : i32
    %scan3A_62 = arith.constant 1 : i32
    scf.for %scan3A_151 = %scan3A to %scan3A_61 step %scan3A_62  : i32 {
      %mul3A_152 = arith.constant 2 : i32
      %mul3A_153 = arith.muli %scan3A_151, %mul3A_152 : i32
      %add3A_154 = arith.constant 0 : i32
      %add3A_155 = arith.addi %add3A_154, %mul3A_153 : i32
      %add3A_156 = arith.constant 0 : i32
      %add3A_157 = arith.addi %add3A_155, %add3A_156 : i32
      %mul3A_158 = arith.constant 16 : i32
      %mul3A_159 = arith.muli %add3A_157, %mul3A_158 : i32
      %add3A_160 = arith.addi %mul3A_2, %mul3A_159 : i32
      %sub3A_161 = arith.constant 0 : i32
      %sub3A_162 = arith.subi %add3A_160, %sub3A_161 : i32
      %add3A_163 = vector.broadcast %sub3A_162 : i32 to vector<16xi32>
      %add3A_164 = arith.addi %get3A_4, %add3A_163 : vector<16xi32>
      %dma_wait3A_165 = arith.constant 0 : i32
      %dma_wait3A_166 = arith.constant 0 : i32
      %dma_wait3A_167 = arith.constant 0 : i32
      %dma_wait3A_168 = tpu.memref_slice %arg7[%dma_wait3A_165, %dma_wait3A_166, %dma_wait3A_167] : memref<2x16x1024xf32, #tpu.memory_space<vmem>> -> memref<1x16x1024xf32, #tpu.memory_space<vmem>>
      %dma_wait3A_169 = tpu.memref_squeeze %dma_wait3A_168 : memref<1x16x1024xf32, #tpu.memory_space<vmem>> -> memref<16x1024xf32, #tpu.memory_space<vmem>>
      %dma_wait3A_170 = arith.constant 0 : i32
      %dma_wait3A_171 = arith.constant 0 : i32
      %dma_wait3A_172 = tpu.memref_slice %arg4[%dma_wait3A_170, %dma_wait3A_171] : memref<65536x1024xf32, #tpu.memory_space<hbm>> -> memref<65536x1024xf32, #tpu.memory_space<hbm>>
      tpu.wait_indirect_dma semaphore(%arg10 : memref<!tpu.dma_semaphore, #tpu.memory_space<semaphore_mem>>) src(%dma_wait3A_172 : memref<65536x1024xf32, #tpu.memory_space<hbm>>) dst(%dma_wait3A_169 : memref<16x1024xf32, #tpu.memory_space<vmem>>)
      %dma_wait3A_173 = arith.constant 0 : i32
      %dma_wait3A_174 = arith.constant 0 : i32
      %dma_wait3A_175 = arith.constant 0 : i32
      %dma_wait3A_176 = tpu.memref_slice %arg8[%dma_wait3A_173, %dma_wait3A_174, %dma_wait3A_175] : memref<2x16x1024xf32, #tpu.memory_space<vmem>> -> memref<1x16x1024xf32, #tpu.memory_space<vmem>>
      %dma_wait3A_177 = tpu.memref_squeeze %dma_wait3A_176 : memref<1x16x1024xf32, #tpu.memory_space<vmem>> -> memref<16x1024xf32, #tpu.memory_space<vmem>>
      %dma_wait3A_178 = arith.constant 0 : i32
      %dma_wait3A_179 = tpu.memref_slice %arg2[%add3A_160, %dma_wait3A_178] : memref<65536x1024xf32, #tpu.memory_space<hbm>> -> memref<16x1024xf32, #tpu.memory_space<hbm>>
      %dma_wait3A_180 = arith.constant 0 : i32
      %dma_wait3A_181 = arith.constant 0 : i32
      %dma_wait3A_182 = tpu.memref_slice %arg8[%dma_wait3A_173, %dma_wait3A_180, %dma_wait3A_181] : memref<2x16x1024xf32, #tpu.memory_space<vmem>> -> memref<1x16x1024xf32, #tpu.memory_space<vmem>>
      %dma_wait3A_183 = tpu.memref_squeeze %dma_wait3A_182 : memref<1x16x1024xf32, #tpu.memory_space<vmem>> -> memref<16x1024xf32, #tpu.memory_space<vmem>>
      %dma_wait3A_184 = arith.constant 0 : i32
      %dma_wait3A_185 = tpu.memref_slice %arg2[%add3A_160, %dma_wait3A_184] : memref<65536x1024xf32, #tpu.memory_space<hbm>> -> memref<16x1024xf32, #tpu.memory_space<hbm>>
      tpu.wait_dma2 semaphore(%arg10 : memref<!tpu.dma_semaphore, #tpu.memory_space<semaphore_mem>>) src(%dma_wait3A_185 : memref<16x1024xf32, #tpu.memory_space<hbm>>) dst(%dma_wait3A_183 : memref<16x1024xf32, #tpu.memory_space<vmem>>)
      %ge3A = arith.constant 2 : i32
      %ge3A_186 = arith.cmpi sge, %add3A_157, %ge3A : i32
      %convert_element_type3A = arith.extui %ge3A_186 : i1 to i32
      %cond3A = arith.constant 0 : i32
      %cond3A_187 = arith.cmpi ne, %convert_element_type3A, %cond3A : i32
      scf.if %cond3A_187 {
        %add3A_340 = arith.constant 0 : i32
        %add3A_341 = arith.addi %add3A_160, %add3A_340 : i32
        %dma_wait3A_342 = arith.constant 0 : i32
        %dma_wait3A_343 = arith.constant 0 : i32
        %dma_wait3A_344 = arith.constant 0 : i32
        %dma_wait3A_345 = tpu.memref_slice %arg9[%dma_wait3A_342, %dma_wait3A_343, %dma_wait3A_344] : memref<2x16x1024xf32, #tpu.memory_space<vmem>> -> memref<1x16x1024xf32, #tpu.memory_space<vmem>>
        %dma_wait3A_346 = tpu.memref_squeeze %dma_wait3A_345 : memref<1x16x1024xf32, #tpu.memory_space<vmem>> -> memref<16x1024xf32, #tpu.memory_space<vmem>>
        %dma_wait3A_347 = arith.constant 0 : i32
        %dma_wait3A_348 = arith.constant 0 : i32
        %dma_wait3A_349 = tpu.memref_slice %dma_wait3A_346[%dma_wait3A_347, %dma_wait3A_348] : memref<16x1024xf32, #tpu.memory_space<vmem>> -> memref<8x1024xf32, #tpu.memory_space<vmem>>
        %dma_wait3A_350 = arith.constant 0 : i32
        %dma_wait3A_351 = tpu.memref_slice %arg5[%add3A_341, %dma_wait3A_350] : memref<65536x1024xf32, #tpu.memory_space<hbm>> -> memref<8x1024xf32, #tpu.memory_space<hbm>>
        %dma_wait3A_352 = arith.constant 0 : i32
        %dma_wait3A_353 = tpu.memref_slice %arg5[%add3A_341, %dma_wait3A_352] : memref<65536x1024xf32, #tpu.memory_space<hbm>> -> memref<8x1024xf32, #tpu.memory_space<hbm>>
        %dma_wait3A_354 = arith.constant 0 : i32
        %dma_wait3A_355 = arith.constant 0 : i32
        %dma_wait3A_356 = tpu.memref_slice %arg9[%dma_wait3A_342, %dma_wait3A_354, %dma_wait3A_355] : memref<2x16x1024xf32, #tpu.memory_space<vmem>> -> memref<1x16x1024xf32, #tpu.memory_space<vmem>>
        %dma_wait3A_357 = tpu.memref_squeeze %dma_wait3A_356 : memref<1x16x1024xf32, #tpu.memory_space<vmem>> -> memref<16x1024xf32, #tpu.memory_space<vmem>>
        %dma_wait3A_358 = arith.constant 0 : i32
        %dma_wait3A_359 = arith.constant 0 : i32
        %dma_wait3A_360 = tpu.memref_slice %dma_wait3A_357[%dma_wait3A_358, %dma_wait3A_359] : memref<16x1024xf32, #tpu.memory_space<vmem>> -> memref<8x1024xf32, #tpu.memory_space<vmem>>
        tpu.wait_dma2 semaphore(%arg12 : memref<!tpu.dma_semaphore, #tpu.memory_space<semaphore_mem>>) src(%dma_wait3A_360 : memref<8x1024xf32, #tpu.memory_space<vmem>>) dst(%dma_wait3A_353 : memref<8x1024xf32, #tpu.memory_space<hbm>>)
        %add3A_361 = arith.constant 8 : i32
        %add3A_362 = arith.addi %add3A_160, %add3A_361 : i32
        %dma_wait3A_363 = arith.constant 0 : i32
        %dma_wait3A_364 = arith.constant 0 : i32
        %dma_wait3A_365 = arith.constant 0 : i32
        %dma_wait3A_366 = tpu.memref_slice %arg9[%dma_wait3A_363, %dma_wait3A_364, %dma_wait3A_365] : memref<2x16x1024xf32, #tpu.memory_space<vmem>> -> memref<1x16x1024xf32, #tpu.memory_space<vmem>>
        %dma_wait3A_367 = tpu.memref_squeeze %dma_wait3A_366 : memref<1x16x1024xf32, #tpu.memory_space<vmem>> -> memref<16x1024xf32, #tpu.memory_space<vmem>>
        %dma_wait3A_368 = arith.constant 8 : i32
        %dma_wait3A_369 = arith.constant 0 : i32
        %dma_wait3A_370 = tpu.memref_slice %dma_wait3A_367[%dma_wait3A_368, %dma_wait3A_369] : memref<16x1024xf32, #tpu.memory_space<vmem>> -> memref<8x1024xf32, #tpu.memory_space<vmem>>
        %dma_wait3A_371 = arith.constant 0 : i32
        %dma_wait3A_372 = tpu.memref_slice %arg5[%add3A_362, %dma_wait3A_371] : memref<65536x1024xf32, #tpu.memory_space<hbm>> -> memref<8x1024xf32, #tpu.memory_space<hbm>>
        %dma_wait3A_373 = arith.constant 0 : i32
        %dma_wait3A_374 = tpu.memref_slice %arg5[%add3A_362, %dma_wait3A_373] : memref<65536x1024xf32, #tpu.memory_space<hbm>> -> memref<8x1024xf32, #tpu.memory_space<hbm>>
        %dma_wait3A_375 = arith.constant 0 : i32
        %dma_wait3A_376 = arith.constant 0 : i32
        %dma_wait3A_377 = tpu.memref_slice %arg9[%dma_wait3A_363, %dma_wait3A_375, %dma_wait3A_376] : memref<2x16x1024xf32, #tpu.memory_space<vmem>> -> memref<1x16x1024xf32, #tpu.memory_space<vmem>>
        %dma_wait3A_378 = tpu.memref_squeeze %dma_wait3A_377 : memref<1x16x1024xf32, #tpu.memory_space<vmem>> -> memref<16x1024xf32, #tpu.memory_space<vmem>>
        %dma_wait3A_379 = arith.constant 8 : i32
        %dma_wait3A_380 = arith.constant 0 : i32
        %dma_wait3A_381 = tpu.memref_slice %dma_wait3A_378[%dma_wait3A_379, %dma_wait3A_380] : memref<16x1024xf32, #tpu.memory_space<vmem>> -> memref<8x1024xf32, #tpu.memory_space<vmem>>
        tpu.wait_dma2 semaphore(%arg12 : memref<!tpu.dma_semaphore, #tpu.memory_space<semaphore_mem>>) src(%dma_wait3A_381 : memref<8x1024xf32, #tpu.memory_space<vmem>>) dst(%dma_wait3A_374 : memref<8x1024xf32, #tpu.memory_space<hbm>>)
      } else {
      }
      %scan3A_188 = arith.constant 0 : i32
      %scan3A_189 = arith.constant 64 : i32
      %scan3A_190 = arith.addi %scan3A_188, %scan3A_189 : i32
      %scan3A_191 = arith.constant 1 : i32
      scf.for %scan3A_340 = %scan3A_188 to %scan3A_190 step %scan3A_191  : i32 {
        %mul3A_341 = arith.constant 1 : i32
        %mul3A_342 = arith.muli %scan3A_340, %mul3A_341 : i32
        %add3A_343 = arith.constant 0 : i32
        %add3A_344 = arith.addi %add3A_343, %mul3A_342 : i32
        %mul3A_345 = arith.constant 16 : i32
        %mul3A_346 = arith.muli %add3A_344, %mul3A_345 : i32
        %get3A_347 = arith.constant 0 : i32
        %get3A_348 = arith.constant 0 : i32
        %get3A_349 = arith.index_cast %get3A_347 : i32 to index
        %get3A_350 = arith.index_cast %get3A_348 : i32 to index
        %get3A_351 = arith.index_cast %mul3A_346 : i32 to index
        %get3A_352 = tpu.vector_load %arg7[%get3A_349, %get3A_350, %get3A_351] {strides = array<i32>} : memref<2x16x1024xf32, #tpu.memory_space<vmem>>, vector<1x1x16xf32>,
        %get3A_353 = vector.shape_cast %get3A_352 : vector<1x1x16xf32> to vector<16xf32>
        %get3A_354 = arith.constant 0 : i32
        %get3A_355 = arith.constant 0 : i32
        %get3A_356 = arith.index_cast %get3A_354 : i32 to index
        %get3A_357 = arith.index_cast %get3A_355 : i32 to index
        %get3A_358 = arith.index_cast %mul3A_346 : i32 to index
        %get3A_359 = tpu.vector_load %arg8[%get3A_356, %get3A_357, %get3A_358] {strides = array<i32>} : memref<2x16x1024xf32, #tpu.memory_space<vmem>>, vector<1x1x16xf32>,
        %get3A_360 = vector.shape_cast %get3A_359 : vector<1x1x16xf32> to vector<16xf32>
        %add3A_361 = arith.addf %get3A_353, %get3A_360 : vector<16xf32>
        %swap3A = arith.constant 0 : i32
        %swap3A_362 = arith.constant 0 : i32
        %swap3A_363 = arith.index_cast %swap3A : i32 to index
        %swap3A_364 = arith.index_cast %swap3A_362 : i32 to index
        %swap3A_365 = arith.index_cast %mul3A_346 : i32 to index
        %swap3A_366 = tpu.vector_load %arg9[%swap3A_363, %swap3A_364, %swap3A_365] {strides = array<i32>} : memref<2x16x1024xf32, #tpu.memory_space<vmem>>, vector<1x1x16xf32>,
        %swap3A_367 = vector.shape_cast %swap3A_366 : vector<1x1x16xf32> to vector<16xf32>
        %swap3A_368 = vector.shape_cast %add3A_361 : vector<16xf32> to vector<1x1x16xf32>
        tpu.vector_store %arg9[%swap3A_363, %swap3A_364, %swap3A_365], %swap3A_368 {strides = array<i32>} : memref<2x16x1024xf32, #tpu.memory_space<vmem>>, vector<1x1x16xf32>,
        %get3A_369 = arith.constant 0 : i32
        %get3A_370 = arith.constant 1 : i32
        %get3A_371 = arith.index_cast %get3A_369 : i32 to index
        %get3A_372 = arith.index_cast %get3A_370 : i32 to index
        %get3A_373 = arith.index_cast %mul3A_346 : i32 to index
        %get3A_374 = tpu.vector_load %arg7[%get3A_371, %get3A_372, %get3A_373] {strides = array<i32>} : memref<2x16x1024xf32, #tpu.memory_space<vmem>>, vector<1x1x16xf32>,
        %get3A_375 = vector.shape_cast %get3A_374 : vector<1x1x16xf32> to vector<16xf32>
        %get3A_376 = arith.constant 0 : i32
        %get3A_377 = arith.constant 1 : i32
        %get3A_378 = arith.index_cast %get3A_376 : i32 to index
        %get3A_379 = arith.index_cast %get3A_377 : i32 to index
        %get3A_380 = arith.index_cast %mul3A_346 : i32 to index
        %get3A_381 = tpu.vector_load %arg8[%get3A_378, %get3A_379, %get3A_380] {strides = array<i32>} : memref<2x16x1024xf32, #tpu.memory_space<vmem>>, vector<1x1x16xf32>,
        %get3A_382 = vector.shape_cast %get3A_381 : vector<1x1x16xf32> to vector<16xf32>
        %add3A_383 = arith.addf %get3A_375, %get3A_382 : vector<16xf32>
        %swap3A_384 = arith.constant 0 : i32
        %swap3A_385 = arith.constant 1 : i32
        %swap3A_386 = arith.index_cast %swap3A_384 : i32 to index
        %swap3A_387 = arith.index_cast %swap3A_385 : i32 to index
        %swap3A_388 = arith.index_cast %mul3A_346 : i32 to index
        %swap3A_389 = tpu.vector_load %arg9[%swap3A_386, %swap3A_387, %swap3A_388] {strides = array<i32>} : memref<2x16x1024xf32, #tpu.memory_space<vmem>>, vector<1x1x16xf32>,
        %swap3A_390 = vector.shape_cast %swap3A_389 : vector<1x1x16xf32> to vector<16xf32>
        %swap3A_391 = vector.shape_cast %add3A_383 : vector<16xf32> to vector<1x1x16xf32>
        tpu.vector_store %arg9[%swap3A_386, %swap3A_387, %swap3A_388], %swap3A_391 {strides = array<i32>} : memref<2x16x1024xf32, #tpu.memory_space<vmem>>, vector<1x1x16xf32>,
        %get3A_392 = arith.constant 0 : i32
        %get3A_393 = arith.constant 2 : i32
        %get3A_394 = arith.index_cast %get3A_392 : i32 to index
        %get3A_395 = arith.index_cast %get3A_393 : i32 to index
        %get3A_396 = arith.index_cast %mul3A_346 : i32 to index
        %get3A_397 = tpu.vector_load %arg7[%get3A_394, %get3A_395, %get3A_396] {strides = array<i32>} : memref<2x16x1024xf32, #tpu.memory_space<vmem>>, vector<1x1x16xf32>,
        %get3A_398 = vector.shape_cast %get3A_397 : vector<1x1x16xf32> to vector<16xf32>
        %get3A_399 = arith.constant 0 : i32
        %get3A_400 = arith.constant 2 : i32
        %get3A_401 = arith.index_cast %get3A_399 : i32 to index
        %get3A_402 = arith.index_cast %get3A_400 : i32 to index
        %get3A_403 = arith.index_cast %mul3A_346 : i32 to index
        %get3A_404 = tpu.vector_load %arg8[%get3A_401, %get3A_402, %get3A_403] {strides = array<i32>} : memref<2x16x1024xf32, #tpu.memory_space<vmem>>, vector<1x1x16xf32>,
        %get3A_405 = vector.shape_cast %get3A_404 : vector<1x1x16xf32> to vector<16xf32>
        %add3A_406 = arith.addf %get3A_398, %get3A_405 : vector<16xf32>
        %swap3A_407 = arith.constant 0 : i32
        %swap3A_408 = arith.constant 2 : i32
        %swap3A_409 = arith.index_cast %swap3A_407 : i32 to index
        %swap3A_410 = arith.index_cast %swap3A_408 : i32 to index
        %swap3A_411 = arith.index_cast %mul3A_346 : i32 to index
        %swap3A_412 = tpu.vector_load %arg9[%swap3A_409, %swap3A_410, %swap3A_411] {strides = array<i32>} : memref<2x16x1024xf32, #tpu.memory_space<vmem>>, vector<1x1x16xf32>,
        %swap3A_413 = vector.shape_cast %swap3A_412 : vector<1x1x16xf32> to vector<16xf32>
        %swap3A_414 = vector.shape_cast %add3A_406 : vector<16xf32> to vector<1x1x16xf32>
        tpu.vector_store %arg9[%swap3A_409, %swap3A_410, %swap3A_411], %swap3A_414 {strides = array<i32>} : memref<2x16x1024xf32, #tpu.memory_space<vmem>>, vector<1x1x16xf32>,
        %get3A_415 = arith.constant 0 : i32
        %get3A_416 = arith.constant 3 : i32
        %get3A_417 = arith.index_cast %get3A_415 : i32 to index
        %get3A_418 = arith.index_cast %get3A_416 : i32 to index
        %get3A_419 = arith.index_cast %mul3A_346 : i32 to index
        %get3A_420 = tpu.vector_load %arg7[%get3A_417, %get3A_418, %get3A_419] {strides = array<i32>} : memref<2x16x1024xf32, #tpu.memory_space<vmem>>, vector<1x1x16xf32>,
        %get3A_421 = vector.shape_cast %get3A_420 : vector<1x1x16xf32> to vector<16xf32>
        %get3A_422 = arith.constant 0 : i32
        %get3A_423 = arith.constant 3 : i32
        %get3A_424 = arith.index_cast %get3A_422 : i32 to index
        %get3A_425 = arith.index_cast %get3A_423 : i32 to index
        %get3A_426 = arith.index_cast %mul3A_346 : i32 to index
        %get3A_427 = tpu.vector_load %arg8[%get3A_424, %get3A_425, %get3A_426] {strides = array<i32>} : memref<2x16x1024xf32, #tpu.memory_space<vmem>>, vector<1x1x16xf32>,
        %get3A_428 = vector.shape_cast %get3A_427 : vector<1x1x16xf32> to vector<16xf32>
        %add3A_429 = arith.addf %get3A_421, %get3A_428 : vector<16xf32>
        %swap3A_430 = arith.constant 0 : i32
        %swap3A_431 = arith.constant 3 : i32
        %swap3A_432 = arith.index_cast %swap3A_430 : i32 to index
        %swap3A_433 = arith.index_cast %swap3A_431 : i32 to index
        %swap3A_434 = arith.index_cast %mul3A_346 : i32 to index
        %swap3A_435 = tpu.vector_load %arg9[%swap3A_432, %swap3A_433, %swap3A_434] {strides = array<i32>} : memref<2x16x1024xf32, #tpu.memory_space<vmem>>, vector<1x1x16xf32>,
        %swap3A_436 = vector.shape_cast %swap3A_435 : vector<1x1x16xf32> to vector<16xf32>
        %swap3A_437 = vector.shape_cast %add3A_429 : vector<16xf32> to vector<1x1x16xf32>
        tpu.vector_store %arg9[%swap3A_432, %swap3A_433, %swap3A_434], %swap3A_437 {strides = array<i32>} : memref<2x16x1024xf32, #tpu.memory_space<vmem>>, vector<1x1x16xf32>,
        %get3A_438 = arith.constant 0 : i32
        %get3A_439 = arith.constant 4 : i32
        %get3A_440 = arith.index_cast %get3A_438 : i32 to index
        %get3A_441 = arith.index_cast %get3A_439 : i32 to index
        %get3A_442 = arith.index_cast %mul3A_346 : i32 to index
        %get3A_443 = tpu.vector_load %arg7[%get3A_440, %get3A_441, %get3A_442] {strides = array<i32>} : memref<2x16x1024xf32, #tpu.memory_space<vmem>>, vector<1x1x16xf32>,
        %get3A_444 = vector.shape_cast %get3A_443 : vector<1x1x16xf32> to vector<16xf32>
        %get3A_445 = arith.constant 0 : i32
        %get3A_446 = arith.constant 4 : i32
        %get3A_447 = arith.index_cast %get3A_445 : i32 to index
        %get3A_448 = arith.index_cast %get3A_446 : i32 to index
        %get3A_449 = arith.index_cast %mul3A_346 : i32 to index
        %get3A_450 = tpu.vector_load %arg8[%get3A_447, %get3A_448, %get3A_449] {strides = array<i32>} : memref<2x16x1024xf32, #tpu.memory_space<vmem>>, vector<1x1x16xf32>,
        %get3A_451 = vector.shape_cast %get3A_450 : vector<1x1x16xf32> to vector<16xf32>
        %add3A_452 = arith.addf %get3A_444, %get3A_451 : vector<16xf32>
        %swap3A_453 = arith.constant 0 : i32
        %swap3A_454 = arith.constant 4 : i32
        %swap3A_455 = arith.index_cast %swap3A_453 : i32 to index
        %swap3A_456 = arith.index_cast %swap3A_454 : i32 to index
        %swap3A_457 = arith.index_cast %mul3A_346 : i32 to index
        %swap3A_458 = tpu.vector_load %arg9[%swap3A_455, %swap3A_456, %swap3A_457] {strides = array<i32>} : memref<2x16x1024xf32, #tpu.memory_space<vmem>>, vector<1x1x16xf32>,
        %swap3A_459 = vector.shape_cast %swap3A_458 : vector<1x1x16xf32> to vector<16xf32>
        %swap3A_460 = vector.shape_cast %add3A_452 : vector<16xf32> to vector<1x1x16xf32>
        tpu.vector_store %arg9[%swap3A_455, %swap3A_456, %swap3A_457], %swap3A_460 {strides = array<i32>} : memref<2x16x1024xf32, #tpu.memory_space<vmem>>, vector<1x1x16xf32>,
        %get3A_461 = arith.constant 0 : i32
        %get3A_462 = arith.constant 5 : i32
        %get3A_463 = arith.index_cast %get3A_461 : i32 to index
        %get3A_464 = arith.index_cast %get3A_462 : i32 to index
        %get3A_465 = arith.index_cast %mul3A_346 : i32 to index
        %get3A_466 = tpu.vector_load %arg7[%get3A_463, %get3A_464, %get3A_465] {strides = array<i32>} : memref<2x16x1024xf32, #tpu.memory_space<vmem>>, vector<1x1x16xf32>,
        %get3A_467 = vector.shape_cast %get3A_466 : vector<1x1x16xf32> to vector<16xf32>
        %get3A_468 = arith.constant 0 : i32
        %get3A_469 = arith.constant 5 : i32
        %get3A_470 = arith.index_cast %get3A_468 : i32 to index
        %get3A_471 = arith.index_cast %get3A_469 : i32 to index
        %get3A_472 = arith.index_cast %mul3A_346 : i32 to index
        %get3A_473 = tpu.vector_load %arg8[%get3A_470, %get3A_471, %get3A_472] {strides = array<i32>} : memref<2x16x1024xf32, #tpu.memory_space<vmem>>, vector<1x1x16xf32>,
        %get3A_474 = vector.shape_cast %get3A_473 : vector<1x1x16xf32> to vector<16xf32>
        %add3A_475 = arith.addf %get3A_467, %get3A_474 : vector<16xf32>
        %swap3A_476 = arith.constant 0 : i32
        %swap3A_477 = arith.constant 5 : i32
        %swap3A_478 = arith.index_cast %swap3A_476 : i32 to index
        %swap3A_479 = arith.index_cast %swap3A_477 : i32 to index
        %swap3A_480 = arith.index_cast %mul3A_346 : i32 to index
        %swap3A_481 = tpu.vector_load %arg9[%swap3A_478, %swap3A_479, %swap3A_480] {strides = array<i32>} : memref<2x16x1024xf32, #tpu.memory_space<vmem>>, vector<1x1x16xf32>,
        %swap3A_482 = vector.shape_cast %swap3A_481 : vector<1x1x16xf32> to vector<16xf32>
        %swap3A_483 = vector.shape_cast %add3A_475 : vector<16xf32> to vector<1x1x16xf32>
        tpu.vector_store %arg9[%swap3A_478, %swap3A_479, %swap3A_480], %swap3A_483 {strides = array<i32>} : memref<2x16x1024xf32, #tpu.memory_space<vmem>>, vector<1x1x16xf32>,
        %get3A_484 = arith.constant 0 : i32
        %get3A_485 = arith.constant 6 : i32
        %get3A_486 = arith.index_cast %get3A_484 : i32 to index
        %get3A_487 = arith.index_cast %get3A_485 : i32 to index
        %get3A_488 = arith.index_cast %mul3A_346 : i32 to index
        %get3A_489 = tpu.vector_load %arg7[%get3A_486, %get3A_487, %get3A_488] {strides = array<i32>} : memref<2x16x1024xf32, #tpu.memory_space<vmem>>, vector<1x1x16xf32>,
        %get3A_490 = vector.shape_cast %get3A_489 : vector<1x1x16xf32> to vector<16xf32>
        %get3A_491 = arith.constant 0 : i32
        %get3A_492 = arith.constant 6 : i32
        %get3A_493 = arith.index_cast %get3A_491 : i32 to index
        %get3A_494 = arith.index_cast %get3A_492 : i32 to index
        %get3A_495 = arith.index_cast %mul3A_346 : i32 to index
        %get3A_496 = tpu.vector_load %arg8[%get3A_493, %get3A_494, %get3A_495] {strides = array<i32>} : memref<2x16x1024xf32, #tpu.memory_space<vmem>>, vector<1x1x16xf32>,
        %get3A_497 = vector.shape_cast %get3A_496 : vector<1x1x16xf32> to vector<16xf32>
        %add3A_498 = arith.addf %get3A_490, %get3A_497 : vector<16xf32>
        %swap3A_499 = arith.constant 0 : i32
        %swap3A_500 = arith.constant 6 : i32
        %swap3A_501 = arith.index_cast %swap3A_499 : i32 to index
        %swap3A_502 = arith.index_cast %swap3A_500 : i32 to index
        %swap3A_503 = arith.index_cast %mul3A_346 : i32 to index
        %swap3A_504 = tpu.vector_load %arg9[%swap3A_501, %swap3A_502, %swap3A_503] {strides = array<i32>} : memref<2x16x1024xf32, #tpu.memory_space<vmem>>, vector<1x1x16xf32>,
        %swap3A_505 = vector.shape_cast %swap3A_504 : vector<1x1x16xf32> to vector<16xf32>
        %swap3A_506 = vector.shape_cast %add3A_498 : vector<16xf32> to vector<1x1x16xf32>
        tpu.vector_store %arg9[%swap3A_501, %swap3A_502, %swap3A_503], %swap3A_506 {strides = array<i32>} : memref<2x16x1024xf32, #tpu.memory_space<vmem>>, vector<1x1x16xf32>,
        %get3A_507 = arith.constant 0 : i32
        %get3A_508 = arith.constant 7 : i32
        %get3A_509 = arith.index_cast %get3A_507 : i32 to index
        %get3A_510 = arith.index_cast %get3A_508 : i32 to index
        %get3A_511 = arith.index_cast %mul3A_346 : i32 to index
        %get3A_512 = tpu.vector_load %arg7[%get3A_509, %get3A_510, %get3A_511] {strides = array<i32>} : memref<2x16x1024xf32, #tpu.memory_space<vmem>>, vector<1x1x16xf32>,
        %get3A_513 = vector.shape_cast %get3A_512 : vector<1x1x16xf32> to vector<16xf32>
        %get3A_514 = arith.constant 0 : i32
        %get3A_515 = arith.constant 7 : i32
        %get3A_516 = arith.index_cast %get3A_514 : i32 to index
        %get3A_517 = arith.index_cast %get3A_515 : i32 to index
        %get3A_518 = arith.index_cast %mul3A_346 : i32 to index
        %get3A_519 = tpu.vector_load %arg8[%get3A_516, %get3A_517, %get3A_518] {strides = array<i32>} : memref<2x16x1024xf32, #tpu.memory_space<vmem>>, vector<1x1x16xf32>,
        %get3A_520 = vector.shape_cast %get3A_519 : vector<1x1x16xf32> to vector<16xf32>
        %add3A_521 = arith.addf %get3A_513, %get3A_520 : vector<16xf32>
        %swap3A_522 = arith.constant 0 : i32
        %swap3A_523 = arith.constant 7 : i32
        %swap3A_524 = arith.index_cast %swap3A_522 : i32 to index
        %swap3A_525 = arith.index_cast %swap3A_523 : i32 to index
        %swap3A_526 = arith.index_cast %mul3A_346 : i32 to index
        %swap3A_527 = tpu.vector_load %arg9[%swap3A_524, %swap3A_525, %swap3A_526] {strides = array<i32>} : memref<2x16x1024xf32, #tpu.memory_space<vmem>>, vector<1x1x16xf32>,
        %swap3A_528 = vector.shape_cast %swap3A_527 : vector<1x1x16xf32> to vector<16xf32>
        %swap3A_529 = vector.shape_cast %add3A_521 : vector<16xf32> to vector<1x1x16xf32>
        tpu.vector_store %arg9[%swap3A_524, %swap3A_525, %swap3A_526], %swap3A_529 {strides = array<i32>} : memref<2x16x1024xf32, #tpu.memory_space<vmem>>, vector<1x1x16xf32>,
      }
      %scan3A_192 = arith.constant 64 : i32
      %add3A_193 = arith.constant 0 : i32
      %add3A_194 = arith.addi %add3A_160, %add3A_193 : i32
      %dma_start3A_195 = arith.constant 0 : i32
      %dma_start3A_196 = arith.constant 0 : i32
      %dma_start3A_197 = arith.constant 0 : i32
      %dma_start3A_198 = tpu.memref_slice %arg9[%dma_start3A_195, %dma_start3A_196, %dma_start3A_197] : memref<2x16x1024xf32, #tpu.memory_space<vmem>> -> memref<1x16x1024xf32, #tpu.memory_space<vmem>>
      %dma_start3A_199 = tpu.memref_squeeze %dma_start3A_198 : memref<1x16x1024xf32, #tpu.memory_space<vmem>> -> memref<16x1024xf32, #tpu.memory_space<vmem>>
      %dma_start3A_200 = arith.constant 0 : i32
      %dma_start3A_201 = arith.constant 0 : i32
      %dma_start3A_202 = tpu.memref_slice %dma_start3A_199[%dma_start3A_200, %dma_start3A_201] : memref<16x1024xf32, #tpu.memory_space<vmem>> -> memref<8x1024xf32, #tpu.memory_space<vmem>>
      %dma_start3A_203 = arith.constant 0 : i32
      %dma_start3A_204 = tpu.memref_slice %arg5[%add3A_194, %dma_start3A_203] : memref<65536x1024xf32, #tpu.memory_space<hbm>> -> memref<8x1024xf32, #tpu.memory_space<hbm>>
      %dma_start3A_205 = arith.constant 0 : i32
      %dma_start3A_206 = tpu.memref_slice %arg5[%add3A_194, %dma_start3A_205] : memref<65536x1024xf32, #tpu.memory_space<hbm>> -> memref<8x1024xf32, #tpu.memory_space<hbm>>
      %dma_start3A_207 = arith.constant 0 : i32
      %dma_start3A_208 = arith.constant 0 : i32
      %dma_start3A_209 = tpu.memref_slice %arg9[%dma_start3A_195, %dma_start3A_207, %dma_start3A_208] : memref<2x16x1024xf32, #tpu.memory_space<vmem>> -> memref<1x16x1024xf32, #tpu.memory_space<vmem>>
      %dma_start3A_210 = tpu.memref_squeeze %dma_start3A_209 : memref<1x16x1024xf32, #tpu.memory_space<vmem>> -> memref<16x1024xf32, #tpu.memory_space<vmem>>
      %dma_start3A_211 = arith.constant 0 : i32
      %dma_start3A_212 = arith.constant 0 : i32
      %dma_start3A_213 = tpu.memref_slice %dma_start3A_210[%dma_start3A_211, %dma_start3A_212] : memref<16x1024xf32, #tpu.memory_space<vmem>> -> memref<8x1024xf32, #tpu.memory_space<vmem>>
      tpu.enqueue_dma source(%dma_start3A_213 : memref<8x1024xf32, #tpu.memory_space<vmem>>) target(%dma_start3A_206 : memref<8x1024xf32, #tpu.memory_space<hbm>>) target_semaphore(%arg12 : memref<!tpu.dma_semaphore, #tpu.memory_space<semaphore_mem>>)
      %scan3A_214 = arith.constant 0 : i32
      %scan3A_215 = arith.constant 64 : i32
      %scan3A_216 = arith.addi %scan3A_214, %scan3A_215 : i32
      %scan3A_217 = arith.constant 1 : i32
      scf.for %scan3A_340 = %scan3A_214 to %scan3A_216 step %scan3A_217  : i32 {
        %mul3A_341 = arith.constant 1 : i32
        %mul3A_342 = arith.muli %scan3A_340, %mul3A_341 : i32
        %add3A_343 = arith.constant 0 : i32
        %add3A_344 = arith.addi %add3A_343, %mul3A_342 : i32
        %mul3A_345 = arith.constant 16 : i32
        %mul3A_346 = arith.muli %add3A_344, %mul3A_345 : i32
        %get3A_347 = arith.constant 0 : i32
        %get3A_348 = arith.constant 8 : i32
        %get3A_349 = arith.index_cast %get3A_347 : i32 to index
        %get3A_350 = arith.index_cast %get3A_348 : i32 to index
        %get3A_351 = arith.index_cast %mul3A_346 : i32 to index
        %get3A_352 = tpu.vector_load %arg7[%get3A_349, %get3A_350, %get3A_351] {strides = array<i32>} : memref<2x16x1024xf32, #tpu.memory_space<vmem>>, vector<1x1x16xf32>,
        %get3A_353 = vector.shape_cast %get3A_352 : vector<1x1x16xf32> to vector<16xf32>
        %get3A_354 = arith.constant 0 : i32
        %get3A_355 = arith.constant 8 : i32
        %get3A_356 = arith.index_cast %get3A_354 : i32 to index
        %get3A_357 = arith.index_cast %get3A_355 : i32 to index
        %get3A_358 = arith.index_cast %mul3A_346 : i32 to index
        %get3A_359 = tpu.vector_load %arg8[%get3A_356, %get3A_357, %get3A_358] {strides = array<i32>} : memref<2x16x1024xf32, #tpu.memory_space<vmem>>, vector<1x1x16xf32>,
        %get3A_360 = vector.shape_cast %get3A_359 : vector<1x1x16xf32> to vector<16xf32>
        %add3A_361 = arith.addf %get3A_353, %get3A_360 : vector<16xf32>
        %swap3A = arith.constant 0 : i32
        %swap3A_362 = arith.constant 8 : i32
        %swap3A_363 = arith.index_cast %swap3A : i32 to index
        %swap3A_364 = arith.index_cast %swap3A_362 : i32 to index
        %swap3A_365 = arith.index_cast %mul3A_346 : i32 to index
        %swap3A_366 = tpu.vector_load %arg9[%swap3A_363, %swap3A_364, %swap3A_365] {strides = array<i32>} : memref<2x16x1024xf32, #tpu.memory_space<vmem>>, vector<1x1x16xf32>,
        %swap3A_367 = vector.shape_cast %swap3A_366 : vector<1x1x16xf32> to vector<16xf32>
        %swap3A_368 = vector.shape_cast %add3A_361 : vector<16xf32> to vector<1x1x16xf32>
        tpu.vector_store %arg9[%swap3A_363, %swap3A_364, %swap3A_365], %swap3A_368 {strides = array<i32>} : memref<2x16x1024xf32, #tpu.memory_space<vmem>>, vector<1x1x16xf32>,
        %get3A_369 = arith.constant 0 : i32
        %get3A_370 = arith.constant 9 : i32
        %get3A_371 = arith.index_cast %get3A_369 : i32 to index
        %get3A_372 = arith.index_cast %get3A_370 : i32 to index
        %get3A_373 = arith.index_cast %mul3A_346 : i32 to index
        %get3A_374 = tpu.vector_load %arg7[%get3A_371, %get3A_372, %get3A_373] {strides = array<i32>} : memref<2x16x1024xf32, #tpu.memory_space<vmem>>, vector<1x1x16xf32>,
        %get3A_375 = vector.shape_cast %get3A_374 : vector<1x1x16xf32> to vector<16xf32>
        %get3A_376 = arith.constant 0 : i32
        %get3A_377 = arith.constant 9 : i32
        %get3A_378 = arith.index_cast %get3A_376 : i32 to index
        %get3A_379 = arith.index_cast %get3A_377 : i32 to index
        %get3A_380 = arith.index_cast %mul3A_346 : i32 to index
        %get3A_381 = tpu.vector_load %arg8[%get3A_378, %get3A_379, %get3A_380] {strides = array<i32>} : memref<2x16x1024xf32, #tpu.memory_space<vmem>>, vector<1x1x16xf32>,
        %get3A_382 = vector.shape_cast %get3A_381 : vector<1x1x16xf32> to vector<16xf32>
        %add3A_383 = arith.addf %get3A_375, %get3A_382 : vector<16xf32>
        %swap3A_384 = arith.constant 0 : i32
        %swap3A_385 = arith.constant 9 : i32
        %swap3A_386 = arith.index_cast %swap3A_384 : i32 to index
        %swap3A_387 = arith.index_cast %swap3A_385 : i32 to index
        %swap3A_388 = arith.index_cast %mul3A_346 : i32 to index
        %swap3A_389 = tpu.vector_load %arg9[%swap3A_386, %swap3A_387, %swap3A_388] {strides = array<i32>} : memref<2x16x1024xf32, #tpu.memory_space<vmem>>, vector<1x1x16xf32>,
        %swap3A_390 = vector.shape_cast %swap3A_389 : vector<1x1x16xf32> to vector<16xf32>
        %swap3A_391 = vector.shape_cast %add3A_383 : vector<16xf32> to vector<1x1x16xf32>
        tpu.vector_store %arg9[%swap3A_386, %swap3A_387, %swap3A_388], %swap3A_391 {strides = array<i32>} : memref<2x16x1024xf32, #tpu.memory_space<vmem>>, vector<1x1x16xf32>,
        %get3A_392 = arith.constant 0 : i32
        %get3A_393 = arith.constant 10 : i32
        %get3A_394 = arith.index_cast %get3A_392 : i32 to index
        %get3A_395 = arith.index_cast %get3A_393 : i32 to index
        %get3A_396 = arith.index_cast %mul3A_346 : i32 to index
        %get3A_397 = tpu.vector_load %arg7[%get3A_394, %get3A_395, %get3A_396] {strides = array<i32>} : memref<2x16x1024xf32, #tpu.memory_space<vmem>>, vector<1x1x16xf32>,
        %get3A_398 = vector.shape_cast %get3A_397 : vector<1x1x16xf32> to vector<16xf32>
        %get3A_399 = arith.constant 0 : i32
        %get3A_400 = arith.constant 10 : i32
        %get3A_401 = arith.index_cast %get3A_399 : i32 to index
        %get3A_402 = arith.index_cast %get3A_400 : i32 to index
        %get3A_403 = arith.index_cast %mul3A_346 : i32 to index
        %get3A_404 = tpu.vector_load %arg8[%get3A_401, %get3A_402, %get3A_403] {strides = array<i32>} : memref<2x16x1024xf32, #tpu.memory_space<vmem>>, vector<1x1x16xf32>,
        %get3A_405 = vector.shape_cast %get3A_404 : vector<1x1x16xf32> to vector<16xf32>
        %add3A_406 = arith.addf %get3A_398, %get3A_405 : vector<16xf32>
        %swap3A_407 = arith.constant 0 : i32
        %swap3A_408 = arith.constant 10 : i32
        %swap3A_409 = arith.index_cast %swap3A_407 : i32 to index
        %swap3A_410 = arith.index_cast %swap3A_408 : i32 to index
        %swap3A_411 = arith.index_cast %mul3A_346 : i32 to index
        %swap3A_412 = tpu.vector_load %arg9[%swap3A_409, %swap3A_410, %swap3A_411] {strides = array<i32>} : memref<2x16x1024xf32, #tpu.memory_space<vmem>>, vector<1x1x16xf32>,
        %swap3A_413 = vector.shape_cast %swap3A_412 : vector<1x1x16xf32> to vector<16xf32>
        %swap3A_414 = vector.shape_cast %add3A_406 : vector<16xf32> to vector<1x1x16xf32>
        tpu.vector_store %arg9[%swap3A_409, %swap3A_410, %swap3A_411], %swap3A_414 {strides = array<i32>} : memref<2x16x1024xf32, #tpu.memory_space<vmem>>, vector<1x1x16xf32>,
        %get3A_415 = arith.constant 0 : i32
        %get3A_416 = arith.constant 11 : i32
        %get3A_417 = arith.index_cast %get3A_415 : i32 to index
        %get3A_418 = arith.index_cast %get3A_416 : i32 to index
        %get3A_419 = arith.index_cast %mul3A_346 : i32 to index
        %get3A_420 = tpu.vector_load %arg7[%get3A_417, %get3A_418, %get3A_419] {strides = array<i32>} : memref<2x16x1024xf32, #tpu.memory_space<vmem>>, vector<1x1x16xf32>,
        %get3A_421 = vector.shape_cast %get3A_420 : vector<1x1x16xf32> to vector<16xf32>
        %get3A_422 = arith.constant 0 : i32
        %get3A_423 = arith.constant 11 : i32
        %get3A_424 = arith.index_cast %get3A_422 : i32 to index
        %get3A_425 = arith.index_cast %get3A_423 : i32 to index
        %get3A_426 = arith.index_cast %mul3A_346 : i32 to index
        %get3A_427 = tpu.vector_load %arg8[%get3A_424, %get3A_425, %get3A_426] {strides = array<i32>} : memref<2x16x1024xf32, #tpu.memory_space<vmem>>, vector<1x1x16xf32>,
        %get3A_428 = vector.shape_cast %get3A_427 : vector<1x1x16xf32> to vector<16xf32>
        %add3A_429 = arith.addf %get3A_421, %get3A_428 : vector<16xf32>
        %swap3A_430 = arith.constant 0 : i32
        %swap3A_431 = arith.constant 11 : i32
        %swap3A_432 = arith.index_cast %swap3A_430 : i32 to index
        %swap3A_433 = arith.index_cast %swap3A_431 : i32 to index
        %swap3A_434 = arith.index_cast %mul3A_346 : i32 to index
        %swap3A_435 = tpu.vector_load %arg9[%swap3A_432, %swap3A_433, %swap3A_434] {strides = array<i32>} : memref<2x16x1024xf32, #tpu.memory_space<vmem>>, vector<1x1x16xf32>,
        %swap3A_436 = vector.shape_cast %swap3A_435 : vector<1x1x16xf32> to vector<16xf32>
        %swap3A_437 = vector.shape_cast %add3A_429 : vector<16xf32> to vector<1x1x16xf32>
        tpu.vector_store %arg9[%swap3A_432, %swap3A_433, %swap3A_434], %swap3A_437 {strides = array<i32>} : memref<2x16x1024xf32, #tpu.memory_space<vmem>>, vector<1x1x16xf32>,
        %get3A_438 = arith.constant 0 : i32
        %get3A_439 = arith.constant 12 : i32
        %get3A_440 = arith.index_cast %get3A_438 : i32 to index
        %get3A_441 = arith.index_cast %get3A_439 : i32 to index
        %get3A_442 = arith.index_cast %mul3A_346 : i32 to index
        %get3A_443 = tpu.vector_load %arg7[%get3A_440, %get3A_441, %get3A_442] {strides = array<i32>} : memref<2x16x1024xf32, #tpu.memory_space<vmem>>, vector<1x1x16xf32>,
        %get3A_444 = vector.shape_cast %get3A_443 : vector<1x1x16xf32> to vector<16xf32>
        %get3A_445 = arith.constant 0 : i32
        %get3A_446 = arith.constant 12 : i32
        %get3A_447 = arith.index_cast %get3A_445 : i32 to index
        %get3A_448 = arith.index_cast %get3A_446 : i32 to index
        %get3A_449 = arith.index_cast %mul3A_346 : i32 to index
        %get3A_450 = tpu.vector_load %arg8[%get3A_447, %get3A_448, %get3A_449] {strides = array<i32>} : memref<2x16x1024xf32, #tpu.memory_space<vmem>>, vector<1x1x16xf32>,
        %get3A_451 = vector.shape_cast %get3A_450 : vector<1x1x16xf32> to vector<16xf32>
        %add3A_452 = arith.addf %get3A_444, %get3A_451 : vector<16xf32>
        %swap3A_453 = arith.constant 0 : i32
        %swap3A_454 = arith.constant 12 : i32
        %swap3A_455 = arith.index_cast %swap3A_453 : i32 to index
        %swap3A_456 = arith.index_cast %swap3A_454 : i32 to index
        %swap3A_457 = arith.index_cast %mul3A_346 : i32 to index
        %swap3A_458 = tpu.vector_load %arg9[%swap3A_455, %swap3A_456, %swap3A_457] {strides = array<i32>} : memref<2x16x1024xf32, #tpu.memory_space<vmem>>, vector<1x1x16xf32>,
        %swap3A_459 = vector.shape_cast %swap3A_458 : vector<1x1x16xf32> to vector<16xf32>
        %swap3A_460 = vector.shape_cast %add3A_452 : vector<16xf32> to vector<1x1x16xf32>
        tpu.vector_store %arg9[%swap3A_455, %swap3A_456, %swap3A_457], %swap3A_460 {strides = array<i32>} : memref<2x16x1024xf32, #tpu.memory_space<vmem>>, vector<1x1x16xf32>,
        %get3A_461 = arith.constant 0 : i32
        %get3A_462 = arith.constant 13 : i32
        %get3A_463 = arith.index_cast %get3A_461 : i32 to index
        %get3A_464 = arith.index_cast %get3A_462 : i32 to index
        %get3A_465 = arith.index_cast %mul3A_346 : i32 to index
        %get3A_466 = tpu.vector_load %arg7[%get3A_463, %get3A_464, %get3A_465] {strides = array<i32>} : memref<2x16x1024xf32, #tpu.memory_space<vmem>>, vector<1x1x16xf32>,
        %get3A_467 = vector.shape_cast %get3A_466 : vector<1x1x16xf32> to vector<16xf32>
        %get3A_468 = arith.constant 0 : i32
        %get3A_469 = arith.constant 13 : i32
        %get3A_470 = arith.index_cast %get3A_468 : i32 to index
        %get3A_471 = arith.index_cast %get3A_469 : i32 to index
        %get3A_472 = arith.index_cast %mul3A_346 : i32 to index
        %get3A_473 = tpu.vector_load %arg8[%get3A_470, %get3A_471, %get3A_472] {strides = array<i32>} : memref<2x16x1024xf32, #tpu.memory_space<vmem>>, vector<1x1x16xf32>,
        %get3A_474 = vector.shape_cast %get3A_473 : vector<1x1x16xf32> to vector<16xf32>
        %add3A_475 = arith.addf %get3A_467, %get3A_474 : vector<16xf32>
        %swap3A_476 = arith.constant 0 : i32
        %swap3A_477 = arith.constant 13 : i32
        %swap3A_478 = arith.index_cast %swap3A_476 : i32 to index
        %swap3A_479 = arith.index_cast %swap3A_477 : i32 to index
        %swap3A_480 = arith.index_cast %mul3A_346 : i32 to index
        %swap3A_481 = tpu.vector_load %arg9[%swap3A_478, %swap3A_479, %swap3A_480] {strides = array<i32>} : memref<2x16x1024xf32, #tpu.memory_space<vmem>>, vector<1x1x16xf32>,
        %swap3A_482 = vector.shape_cast %swap3A_481 : vector<1x1x16xf32> to vector<16xf32>
        %swap3A_483 = vector.shape_cast %add3A_475 : vector<16xf32> to vector<1x1x16xf32>
        tpu.vector_store %arg9[%swap3A_478, %swap3A_479, %swap3A_480], %swap3A_483 {strides = array<i32>} : memref<2x16x1024xf32, #tpu.memory_space<vmem>>, vector<1x1x16xf32>,
        %get3A_484 = arith.constant 0 : i32
        %get3A_485 = arith.constant 14 : i32
        %get3A_486 = arith.index_cast %get3A_484 : i32 to index
        %get3A_487 = arith.index_cast %get3A_485 : i32 to index
        %get3A_488 = arith.index_cast %mul3A_346 : i32 to index
        %get3A_489 = tpu.vector_load %arg7[%get3A_486, %get3A_487, %get3A_488] {strides = array<i32>} : memref<2x16x1024xf32, #tpu.memory_space<vmem>>, vector<1x1x16xf32>,
        %get3A_490 = vector.shape_cast %get3A_489 : vector<1x1x16xf32> to vector<16xf32>
        %get3A_491 = arith.constant 0 : i32
        %get3A_492 = arith.constant 14 : i32
        %get3A_493 = arith.index_cast %get3A_491 : i32 to index
        %get3A_494 = arith.index_cast %get3A_492 : i32 to index
        %get3A_495 = arith.index_cast %mul3A_346 : i32 to index
        %get3A_496 = tpu.vector_load %arg8[%get3A_493, %get3A_494, %get3A_495] {strides = array<i32>} : memref<2x16x1024xf32, #tpu.memory_space<vmem>>, vector<1x1x16xf32>,
        %get3A_497 = vector.shape_cast %get3A_496 : vector<1x1x16xf32> to vector<16xf32>
        %add3A_498 = arith.addf %get3A_490, %get3A_497 : vector<16xf32>
        %swap3A_499 = arith.constant 0 : i32
        %swap3A_500 = arith.constant 14 : i32
        %swap3A_501 = arith.index_cast %swap3A_499 : i32 to index
        %swap3A_502 = arith.index_cast %swap3A_500 : i32 to index
        %swap3A_503 = arith.index_cast %mul3A_346 : i32 to index
        %swap3A_504 = tpu.vector_load %arg9[%swap3A_501, %swap3A_502, %swap3A_503] {strides = array<i32>} : memref<2x16x1024xf32, #tpu.memory_space<vmem>>, vector<1x1x16xf32>,
        %swap3A_505 = vector.shape_cast %swap3A_504 : vector<1x1x16xf32> to vector<16xf32>
        %swap3A_506 = vector.shape_cast %add3A_498 : vector<16xf32> to vector<1x1x16xf32>
        tpu.vector_store %arg9[%swap3A_501, %swap3A_502, %swap3A_503], %swap3A_506 {strides = array<i32>} : memref<2x16x1024xf32, #tpu.memory_space<vmem>>, vector<1x1x16xf32>,
        %get3A_507 = arith.constant 0 : i32
        %get3A_508 = arith.constant 15 : i32
        %get3A_509 = arith.index_cast %get3A_507 : i32 to index
        %get3A_510 = arith.index_cast %get3A_508 : i32 to index
        %get3A_511 = arith.index_cast %mul3A_346 : i32 to index
        %get3A_512 = tpu.vector_load %arg7[%get3A_509, %get3A_510, %get3A_511] {strides = array<i32>} : memref<2x16x1024xf32, #tpu.memory_space<vmem>>, vector<1x1x16xf32>,
        %get3A_513 = vector.shape_cast %get3A_512 : vector<1x1x16xf32> to vector<16xf32>
        %get3A_514 = arith.constant 0 : i32
        %get3A_515 = arith.constant 15 : i32
        %get3A_516 = arith.index_cast %get3A_514 : i32 to index
        %get3A_517 = arith.index_cast %get3A_515 : i32 to index
        %get3A_518 = arith.index_cast %mul3A_346 : i32 to index
        %get3A_519 = tpu.vector_load %arg8[%get3A_516, %get3A_517, %get3A_518] {strides = array<i32>} : memref<2x16x1024xf32, #tpu.memory_space<vmem>>, vector<1x1x16xf32>,
        %get3A_520 = vector.shape_cast %get3A_519 : vector<1x1x16xf32> to vector<16xf32>
        %add3A_521 = arith.addf %get3A_513, %get3A_520 : vector<16xf32>
        %swap3A_522 = arith.constant 0 : i32
        %swap3A_523 = arith.constant 15 : i32
        %swap3A_524 = arith.index_cast %swap3A_522 : i32 to index
        %swap3A_525 = arith.index_cast %swap3A_523 : i32 to index
        %swap3A_526 = arith.index_cast %mul3A_346 : i32 to index
        %swap3A_527 = tpu.vector_load %arg9[%swap3A_524, %swap3A_525, %swap3A_526] {strides = array<i32>} : memref<2x16x1024xf32, #tpu.memory_space<vmem>>, vector<1x1x16xf32>,
        %swap3A_528 = vector.shape_cast %swap3A_527 : vector<1x1x16xf32> to vector<16xf32>
        %swap3A_529 = vector.shape_cast %add3A_521 : vector<16xf32> to vector<1x1x16xf32>
        tpu.vector_store %arg9[%swap3A_524, %swap3A_525, %swap3A_526], %swap3A_529 {strides = array<i32>} : memref<2x16x1024xf32, #tpu.memory_space<vmem>>, vector<1x1x16xf32>,
      }
      %scan3A_218 = arith.constant 64 : i32
      %add3A_219 = arith.constant 8 : i32
      %add3A_220 = arith.addi %add3A_160, %add3A_219 : i32
      %dma_start3A_221 = arith.constant 0 : i32
      %dma_start3A_222 = arith.constant 0 : i32
      %dma_start3A_223 = arith.constant 0 : i32
      %dma_start3A_224 = tpu.memref_slice %arg9[%dma_start3A_221, %dma_start3A_222, %dma_start3A_223] : memref<2x16x1024xf32, #tpu.memory_space<vmem>> -> memref<1x16x1024xf32, #tpu.memory_space<vmem>>
      %dma_start3A_225 = tpu.memref_squeeze %dma_start3A_224 : memref<1x16x1024xf32, #tpu.memory_space<vmem>> -> memref<16x1024xf32, #tpu.memory_space<vmem>>
      %dma_start3A_226 = arith.constant 8 : i32
      %dma_start3A_227 = arith.constant 0 : i32
      %dma_start3A_228 = tpu.memref_slice %dma_start3A_225[%dma_start3A_226, %dma_start3A_227] : memref<16x1024xf32, #tpu.memory_space<vmem>> -> memref<8x1024xf32, #tpu.memory_space<vmem>>
      %dma_start3A_229 = arith.constant 0 : i32
      %dma_start3A_230 = tpu.memref_slice %arg5[%add3A_220, %dma_start3A_229] : memref<65536x1024xf32, #tpu.memory_space<hbm>> -> memref<8x1024xf32, #tpu.memory_space<hbm>>
      %dma_start3A_231 = arith.constant 0 : i32
      %dma_start3A_232 = tpu.memref_slice %arg5[%add3A_220, %dma_start3A_231] : memref<65536x1024xf32, #tpu.memory_space<hbm>> -> memref<8x1024xf32, #tpu.memory_space<hbm>>
      %dma_start3A_233 = arith.constant 0 : i32
      %dma_start3A_234 = arith.constant 0 : i32
      %dma_start3A_235 = tpu.memref_slice %arg9[%dma_start3A_221, %dma_start3A_233, %dma_start3A_234] : memref<2x16x1024xf32, #tpu.memory_space<vmem>> -> memref<1x16x1024xf32, #tpu.memory_space<vmem>>
      %dma_start3A_236 = tpu.memref_squeeze %dma_start3A_235 : memref<1x16x1024xf32, #tpu.memory_space<vmem>> -> memref<16x1024xf32, #tpu.memory_space<vmem>>
      %dma_start3A_237 = arith.constant 8 : i32
      %dma_start3A_238 = arith.constant 0 : i32
      %dma_start3A_239 = tpu.memref_slice %dma_start3A_236[%dma_start3A_237, %dma_start3A_238] : memref<16x1024xf32, #tpu.memory_space<vmem>> -> memref<8x1024xf32, #tpu.memory_space<vmem>>
      tpu.enqueue_dma source(%dma_start3A_239 : memref<8x1024xf32, #tpu.memory_space<vmem>>) target(%dma_start3A_232 : memref<8x1024xf32, #tpu.memory_space<hbm>>) target_semaphore(%arg12 : memref<!tpu.dma_semaphore, #tpu.memory_space<semaphore_mem>>)
      %add3A_240 = arith.constant 2 : i32
      %add3A_241 = arith.addi %add3A_157, %add3A_240 : i32
      %lt3A = arith.constant 128 : i32
      %lt3A_242 = arith.cmpi slt, %add3A_241, %lt3A : i32
      %convert_element_type3A_243 = arith.extui %lt3A_242 : i1 to i32
      %cond3A_244 = arith.constant 0 : i32
      %cond3A_245 = arith.cmpi ne, %convert_element_type3A_243, %cond3A_244 : i32
      scf.if %cond3A_245 {
        %add3A_340 = arith.constant 32 : i32
        %add3A_341 = arith.addi %add3A_160, %add3A_340 : i32
        %sub3A_342 = arith.constant 0 : i32
        %sub3A_343 = arith.subi %add3A_341, %sub3A_342 : i32
        %add3A_344 = vector.broadcast %sub3A_343 : i32 to vector<16xi32>
        %add3A_345 = arith.addi %get3A_4, %add3A_344 : vector<16xi32>
        %dma_start3A_346 = arith.constant 0 : i32
        %dma_start3A_347 = arith.constant 0 : i32
        %dma_start3A_348 = arith.constant 0 : i32
        %dma_start3A_349 = tpu.memref_slice %arg7[%dma_start3A_346, %dma_start3A_347, %dma_start3A_348] : memref<2x16x1024xf32, #tpu.memory_space<vmem>> -> memref<1x16x1024xf32, #tpu.memory_space<vmem>>
        %dma_start3A_350 = tpu.memref_squeeze %dma_start3A_349 : memref<1x16x1024xf32, #tpu.memory_space<vmem>> -> memref<16x1024xf32, #tpu.memory_space<vmem>>
        %dma_start3A_351 = arith.constant 0 : i32
        %dma_start3A_352 = arith.constant 0 : i32
        %dma_start3A_353 = tpu.memref_slice %arg4[%dma_start3A_351, %dma_start3A_352] : memref<65536x1024xf32, #tpu.memory_space<hbm>> -> memref<65536x1024xf32, #tpu.memory_space<hbm>>
        tpu.enqueue_indirect_dma source(%dma_start3A_353 : memref<65536x1024xf32, #tpu.memory_space<hbm>>) target(%dma_start3A_350 : memref<16x1024xf32, #tpu.memory_space<vmem>>) offsets(%add3A_345 : vector<16xi32>) semaphore(%arg10 : memref<!tpu.dma_semaphore, #tpu.memory_space<semaphore_mem>>)
        %dma_start3A_354 = arith.constant 0 : i32
        %dma_start3A_355 = arith.constant 0 : i32
        %dma_start3A_356 = arith.constant 0 : i32
        %dma_start3A_357 = tpu.memref_slice %arg8[%dma_start3A_354, %dma_start3A_355, %dma_start3A_356] : memref<2x16x1024xf32, #tpu.memory_space<vmem>> -> memref<1x16x1024xf32, #tpu.memory_space<vmem>>
        %dma_start3A_358 = tpu.memref_squeeze %dma_start3A_357 : memref<1x16x1024xf32, #tpu.memory_space<vmem>> -> memref<16x1024xf32, #tpu.memory_space<vmem>>
        %dma_start3A_359 = arith.constant 0 : i32
        %dma_start3A_360 = tpu.memref_slice %arg2[%add3A_341, %dma_start3A_359] : memref<65536x1024xf32, #tpu.memory_space<hbm>> -> memref<16x1024xf32, #tpu.memory_space<hbm>>
        %dma_start3A_361 = arith.constant 0 : i32
        %dma_start3A_362 = arith.constant 0 : i32
        %dma_start3A_363 = tpu.memref_slice %arg8[%dma_start3A_354, %dma_start3A_361, %dma_start3A_362] : memref<2x16x1024xf32, #tpu.memory_space<vmem>> -> memref<1x16x1024xf32, #tpu.memory_space<vmem>>
        %dma_start3A_364 = tpu.memref_squeeze %dma_start3A_363 : memref<1x16x1024xf32, #tpu.memory_space<vmem>> -> memref<16x1024xf32, #tpu.memory_space<vmem>>
        %dma_start3A_365 = arith.constant 0 : i32
        %dma_start3A_366 = tpu.memref_slice %arg2[%add3A_341, %dma_start3A_365] : memref<65536x1024xf32, #tpu.memory_space<hbm>> -> memref<16x1024xf32, #tpu.memory_space<hbm>>
        tpu.enqueue_dma source(%dma_start3A_366 : memref<16x1024xf32, #tpu.memory_space<hbm>>) target(%dma_start3A_364 : memref<16x1024xf32, #tpu.memory_space<vmem>>) target_semaphore(%arg10 : memref<!tpu.dma_semaphore, #tpu.memory_space<semaphore_mem>>)
      } else {
      }
      %add3A_246 = arith.constant 1 : i32
      %add3A_247 = arith.addi %add3A_155, %add3A_246 : i32
      %mul3A_248 = arith.constant 16 : i32
      %mul3A_249 = arith.muli %add3A_247, %mul3A_248 : i32
      %add3A_250 = arith.addi %mul3A_2, %mul3A_249 : i32
      %sub3A_251 = arith.constant 16 : i32
      %sub3A_252 = arith.subi %add3A_250, %sub3A_251 : i32
      %add3A_253 = vector.broadcast %sub3A_252 : i32 to vector<16xi32>
      %add3A_254 = arith.addi %get3A_7, %add3A_253 : vector<16xi32>
      %dma_wait3A_255 = arith.constant 1 : i32
      %dma_wait3A_256 = arith.constant 0 : i32
      %dma_wait3A_257 = arith.constant 0 : i32
      %dma_wait3A_258 = tpu.memref_slice %arg7[%dma_wait3A_255, %dma_wait3A_256, %dma_wait3A_257] : memref<2x16x1024xf32, #tpu.memory_space<vmem>> -> memref<1x16x1024xf32, #tpu.memory_space<vmem>>
      %dma_wait3A_259 = tpu.memref_squeeze %dma_wait3A_258 : memref<1x16x1024xf32, #tpu.memory_space<vmem>> -> memref<16x1024xf32, #tpu.memory_space<vmem>>
      %dma_wait3A_260 = arith.constant 0 : i32
      %dma_wait3A_261 = arith.constant 0 : i32
      %dma_wait3A_262 = tpu.memref_slice %arg4[%dma_wait3A_260, %dma_wait3A_261] : memref<65536x1024xf32, #tpu.memory_space<hbm>> -> memref<65536x1024xf32, #tpu.memory_space<hbm>>
      tpu.wait_indirect_dma semaphore(%arg11 : memref<!tpu.dma_semaphore, #tpu.memory_space<semaphore_mem>>) src(%dma_wait3A_262 : memref<65536x1024xf32, #tpu.memory_space<hbm>>) dst(%dma_wait3A_259 : memref<16x1024xf32, #tpu.memory_space<vmem>>)
      %dma_wait3A_263 = arith.constant 1 : i32
      %dma_wait3A_264 = arith.constant 0 : i32
      %dma_wait3A_265 = arith.constant 0 : i32
      %dma_wait3A_266 = tpu.memref_slice %arg8[%dma_wait3A_263, %dma_wait3A_264, %dma_wait3A_265] : memref<2x16x1024xf32, #tpu.memory_space<vmem>> -> memref<1x16x1024xf32, #tpu.memory_space<vmem>>
      %dma_wait3A_267 = tpu.memref_squeeze %dma_wait3A_266 : memref<1x16x1024xf32, #tpu.memory_space<vmem>> -> memref<16x1024xf32, #tpu.memory_space<vmem>>
      %dma_wait3A_268 = arith.constant 0 : i32
      %dma_wait3A_269 = tpu.memref_slice %arg2[%add3A_250, %dma_wait3A_268] : memref<65536x1024xf32, #tpu.memory_space<hbm>> -> memref<16x1024xf32, #tpu.memory_space<hbm>>
      %dma_wait3A_270 = arith.constant 0 : i32
      %dma_wait3A_271 = arith.constant 0 : i32
      %dma_wait3A_272 = tpu.memref_slice %arg8[%dma_wait3A_263, %dma_wait3A_270, %dma_wait3A_271] : memref<2x16x1024xf32, #tpu.memory_space<vmem>> -> memref<1x16x1024xf32, #tpu.memory_space<vmem>>
      %dma_wait3A_273 = tpu.memref_squeeze %dma_wait3A_272 : memref<1x16x1024xf32, #tpu.memory_space<vmem>> -> memref<16x1024xf32, #tpu.memory_space<vmem>>
      %dma_wait3A_274 = arith.constant 0 : i32
      %dma_wait3A_275 = tpu.memref_slice %arg2[%add3A_250, %dma_wait3A_274] : memref<65536x1024xf32, #tpu.memory_space<hbm>> -> memref<16x1024xf32, #tpu.memory_space<hbm>>
      tpu.wait_dma2 semaphore(%arg11 : memref<!tpu.dma_semaphore, #tpu.memory_space<semaphore_mem>>) src(%dma_wait3A_275 : memref<16x1024xf32, #tpu.memory_space<hbm>>) dst(%dma_wait3A_273 : memref<16x1024xf32, #tpu.memory_space<vmem>>)
      %ge3A_276 = arith.constant 2 : i32
      %ge3A_277 = arith.cmpi sge, %add3A_247, %ge3A_276 : i32
      %convert_element_type3A_278 = arith.extui %ge3A_277 : i1 to i32
      %cond3A_279 = arith.constant 0 : i32
      %cond3A_280 = arith.cmpi ne, %convert_element_type3A_278, %cond3A_279 : i32
      scf.if %cond3A_280 {
        %add3A_340 = arith.constant 0 : i32
        %add3A_341 = arith.addi %add3A_250, %add3A_340 : i32
        %dma_wait3A_342 = arith.constant 1 : i32
        %dma_wait3A_343 = arith.constant 0 : i32
        %dma_wait3A_344 = arith.constant 0 : i32
        %dma_wait3A_345 = tpu.memref_slice %arg9[%dma_wait3A_342, %dma_wait3A_343, %dma_wait3A_344] : memref<2x16x1024xf32, #tpu.memory_space<vmem>> -> memref<1x16x1024xf32, #tpu.memory_space<vmem>>
        %dma_wait3A_346 = tpu.memref_squeeze %dma_wait3A_345 : memref<1x16x1024xf32, #tpu.memory_space<vmem>> -> memref<16x1024xf32, #tpu.memory_space<vmem>>
        %dma_wait3A_347 = arith.constant 0 : i32
        %dma_wait3A_348 = arith.constant 0 : i32
        %dma_wait3A_349 = tpu.memref_slice %dma_wait3A_346[%dma_wait3A_347, %dma_wait3A_348] : memref<16x1024xf32, #tpu.memory_space<vmem>> -> memref<8x1024xf32, #tpu.memory_space<vmem>>
        %dma_wait3A_350 = arith.constant 0 : i32
        %dma_wait3A_351 = tpu.memref_slice %arg5[%add3A_341, %dma_wait3A_350] : memref<65536x1024xf32, #tpu.memory_space<hbm>> -> memref<8x1024xf32, #tpu.memory_space<hbm>>
        %dma_wait3A_352 = arith.constant 0 : i32
        %dma_wait3A_353 = tpu.memref_slice %arg5[%add3A_341, %dma_wait3A_352] : memref<65536x1024xf32, #tpu.memory_space<hbm>> -> memref<8x1024xf32, #tpu.memory_space<hbm>>
        %dma_wait3A_354 = arith.constant 0 : i32
        %dma_wait3A_355 = arith.constant 0 : i32
        %dma_wait3A_356 = tpu.memref_slice %arg9[%dma_wait3A_342, %dma_wait3A_354, %dma_wait3A_355] : memref<2x16x1024xf32, #tpu.memory_space<vmem>> -> memref<1x16x1024xf32, #tpu.memory_space<vmem>>
        %dma_wait3A_357 = tpu.memref_squeeze %dma_wait3A_356 : memref<1x16x1024xf32, #tpu.memory_space<vmem>> -> memref<16x1024xf32, #tpu.memory_space<vmem>>
        %dma_wait3A_358 = arith.constant 0 : i32
        %dma_wait3A_359 = arith.constant 0 : i32
        %dma_wait3A_360 = tpu.memref_slice %dma_wait3A_357[%dma_wait3A_358, %dma_wait3A_359] : memref<16x1024xf32, #tpu.memory_space<vmem>> -> memref<8x1024xf32, #tpu.memory_space<vmem>>
        tpu.wait_dma2 semaphore(%arg13 : memref<!tpu.dma_semaphore, #tpu.memory_space<semaphore_mem>>) src(%dma_wait3A_360 : memref<8x1024xf32, #tpu.memory_space<vmem>>) dst(%dma_wait3A_353 : memref<8x1024xf32, #tpu.memory_space<hbm>>)
        %add3A_361 = arith.constant 8 : i32
        %add3A_362 = arith.addi %add3A_250, %add3A_361 : i32
        %dma_wait3A_363 = arith.constant 1 : i32
        %dma_wait3A_364 = arith.constant 0 : i32
        %dma_wait3A_365 = arith.constant 0 : i32
        %dma_wait3A_366 = tpu.memref_slice %arg9[%dma_wait3A_363, %dma_wait3A_364, %dma_wait3A_365] : memref<2x16x1024xf32, #tpu.memory_space<vmem>> -> memref<1x16x1024xf32, #tpu.memory_space<vmem>>
        %dma_wait3A_367 = tpu.memref_squeeze %dma_wait3A_366 : memref<1x16x1024xf32, #tpu.memory_space<vmem>> -> memref<16x1024xf32, #tpu.memory_space<vmem>>
        %dma_wait3A_368 = arith.constant 8 : i32
        %dma_wait3A_369 = arith.constant 0 : i32
        %dma_wait3A_370 = tpu.memref_slice %dma_wait3A_367[%dma_wait3A_368, %dma_wait3A_369] : memref<16x1024xf32, #tpu.memory_space<vmem>> -> memref<8x1024xf32, #tpu.memory_space<vmem>>
        %dma_wait3A_371 = arith.constant 0 : i32
        %dma_wait3A_372 = tpu.memref_slice %arg5[%add3A_362, %dma_wait3A_371] : memref<65536x1024xf32, #tpu.memory_space<hbm>> -> memref<8x1024xf32, #tpu.memory_space<hbm>>
        %dma_wait3A_373 = arith.constant 0 : i32
        %dma_wait3A_374 = tpu.memref_slice %arg5[%add3A_362, %dma_wait3A_373] : memref<65536x1024xf32, #tpu.memory_space<hbm>> -> memref<8x1024xf32, #tpu.memory_space<hbm>>
        %dma_wait3A_375 = arith.constant 0 : i32
        %dma_wait3A_376 = arith.constant 0 : i32
        %dma_wait3A_377 = tpu.memref_slice %arg9[%dma_wait3A_363, %dma_wait3A_375, %dma_wait3A_376] : memref<2x16x1024xf32, #tpu.memory_space<vmem>> -> memref<1x16x1024xf32, #tpu.memory_space<vmem>>
        %dma_wait3A_378 = tpu.memref_squeeze %dma_wait3A_377 : memref<1x16x1024xf32, #tpu.memory_space<vmem>> -> memref<16x1024xf32, #tpu.memory_space<vmem>>
        %dma_wait3A_379 = arith.constant 8 : i32
        %dma_wait3A_380 = arith.constant 0 : i32
        %dma_wait3A_381 = tpu.memref_slice %dma_wait3A_378[%dma_wait3A_379, %dma_wait3A_380] : memref<16x1024xf32, #tpu.memory_space<vmem>> -> memref<8x1024xf32, #tpu.memory_space<vmem>>
        tpu.wait_dma2 semaphore(%arg13 : memref<!tpu.dma_semaphore, #tpu.memory_space<semaphore_mem>>) src(%dma_wait3A_381 : memref<8x1024xf32, #tpu.memory_space<vmem>>) dst(%dma_wait3A_374 : memref<8x1024xf32, #tpu.memory_space<hbm>>)
      } else {
      }
      %scan3A_281 = arith.constant 0 : i32
      %scan3A_282 = arith.constant 64 : i32
      %scan3A_283 = arith.addi %scan3A_281, %scan3A_282 : i32
      %scan3A_284 = arith.constant 1 : i32
      scf.for %scan3A_340 = %scan3A_281 to %scan3A_283 step %scan3A_284  : i32 {
        %mul3A_341 = arith.constant 1 : i32
        %mul3A_342 = arith.muli %scan3A_340, %mul3A_341 : i32
        %add3A_343 = arith.constant 0 : i32
        %add3A_344 = arith.addi %add3A_343, %mul3A_342 : i32
        %mul3A_345 = arith.constant 16 : i32
        %mul3A_346 = arith.muli %add3A_344, %mul3A_345 : i32
        %get3A_347 = arith.constant 1 : i32
        %get3A_348 = arith.constant 0 : i32
        %get3A_349 = arith.index_cast %get3A_347 : i32 to index
        %get3A_350 = arith.index_cast %get3A_348 : i32 to index
        %get3A_351 = arith.index_cast %mul3A_346 : i32 to index
        %get3A_352 = tpu.vector_load %arg7[%get3A_349, %get3A_350, %get3A_351] {strides = array<i32>} : memref<2x16x1024xf32, #tpu.memory_space<vmem>>, vector<1x1x16xf32>,
        %get3A_353 = vector.shape_cast %get3A_352 : vector<1x1x16xf32> to vector<16xf32>
        %get3A_354 = arith.constant 1 : i32
        %get3A_355 = arith.constant 0 : i32
        %get3A_356 = arith.index_cast %get3A_354 : i32 to index
        %get3A_357 = arith.index_cast %get3A_355 : i32 to index
        %get3A_358 = arith.index_cast %mul3A_346 : i32 to index
        %get3A_359 = tpu.vector_load %arg8[%get3A_356, %get3A_357, %get3A_358] {strides = array<i32>} : memref<2x16x1024xf32, #tpu.memory_space<vmem>>, vector<1x1x16xf32>,
        %get3A_360 = vector.shape_cast %get3A_359 : vector<1x1x16xf32> to vector<16xf32>
        %add3A_361 = arith.addf %get3A_353, %get3A_360 : vector<16xf32>
        %swap3A = arith.constant 1 : i32
        %swap3A_362 = arith.constant 0 : i32
        %swap3A_363 = arith.index_cast %swap3A : i32 to index
        %swap3A_364 = arith.index_cast %swap3A_362 : i32 to index
        %swap3A_365 = arith.index_cast %mul3A_346 : i32 to index
        %swap3A_366 = tpu.vector_load %arg9[%swap3A_363, %swap3A_364, %swap3A_365] {strides = array<i32>} : memref<2x16x1024xf32, #tpu.memory_space<vmem>>, vector<1x1x16xf32>,
        %swap3A_367 = vector.shape_cast %swap3A_366 : vector<1x1x16xf32> to vector<16xf32>
        %swap3A_368 = vector.shape_cast %add3A_361 : vector<16xf32> to vector<1x1x16xf32>
        tpu.vector_store %arg9[%swap3A_363, %swap3A_364, %swap3A_365], %swap3A_368 {strides = array<i32>} : memref<2x16x1024xf32, #tpu.memory_space<vmem>>, vector<1x1x16xf32>,
        %get3A_369 = arith.constant 1 : i32
        %get3A_370 = arith.constant 1 : i32
        %get3A_371 = arith.index_cast %get3A_369 : i32 to index
        %get3A_372 = arith.index_cast %get3A_370 : i32 to index
        %get3A_373 = arith.index_cast %mul3A_346 : i32 to index
        %get3A_374 = tpu.vector_load %arg7[%get3A_371, %get3A_372, %get3A_373] {strides = array<i32>} : memref<2x16x1024xf32, #tpu.memory_space<vmem>>, vector<1x1x16xf32>,
        %get3A_375 = vector.shape_cast %get3A_374 : vector<1x1x16xf32> to vector<16xf32>
        %get3A_376 = arith.constant 1 : i32
        %get3A_377 = arith.constant 1 : i32
        %get3A_378 = arith.index_cast %get3A_376 : i32 to index
        %get3A_379 = arith.index_cast %get3A_377 : i32 to index
        %get3A_380 = arith.index_cast %mul3A_346 : i32 to index
        %get3A_381 = tpu.vector_load %arg8[%get3A_378, %get3A_379, %get3A_380] {strides = array<i32>} : memref<2x16x1024xf32, #tpu.memory_space<vmem>>, vector<1x1x16xf32>,
        %get3A_382 = vector.shape_cast %get3A_381 : vector<1x1x16xf32> to vector<16xf32>
        %add3A_383 = arith.addf %get3A_375, %get3A_382 : vector<16xf32>
        %swap3A_384 = arith.constant 1 : i32
        %swap3A_385 = arith.constant 1 : i32
        %swap3A_386 = arith.index_cast %swap3A_384 : i32 to index
        %swap3A_387 = arith.index_cast %swap3A_385 : i32 to index
        %swap3A_388 = arith.index_cast %mul3A_346 : i32 to index
        %swap3A_389 = tpu.vector_load %arg9[%swap3A_386, %swap3A_387, %swap3A_388] {strides = array<i32>} : memref<2x16x1024xf32, #tpu.memory_space<vmem>>, vector<1x1x16xf32>,
        %swap3A_390 = vector.shape_cast %swap3A_389 : vector<1x1x16xf32> to vector<16xf32>
        %swap3A_391 = vector.shape_cast %add3A_383 : vector<16xf32> to vector<1x1x16xf32>
        tpu.vector_store %arg9[%swap3A_386, %swap3A_387, %swap3A_388], %swap3A_391 {strides = array<i32>} : memref<2x16x1024xf32, #tpu.memory_space<vmem>>, vector<1x1x16xf32>,
        %get3A_392 = arith.constant 1 : i32
        %get3A_393 = arith.constant 2 : i32
        %get3A_394 = arith.index_cast %get3A_392 : i32 to index
        %get3A_395 = arith.index_cast %get3A_393 : i32 to index
        %get3A_396 = arith.index_cast %mul3A_346 : i32 to index
        %get3A_397 = tpu.vector_load %arg7[%get3A_394, %get3A_395, %get3A_396] {strides = array<i32>} : memref<2x16x1024xf32, #tpu.memory_space<vmem>>, vector<1x1x16xf32>,
        %get3A_398 = vector.shape_cast %get3A_397 : vector<1x1x16xf32> to vector<16xf32>
        %get3A_399 = arith.constant 1 : i32
        %get3A_400 = arith.constant 2 : i32
        %get3A_401 = arith.index_cast %get3A_399 : i32 to index
        %get3A_402 = arith.index_cast %get3A_400 : i32 to index
        %get3A_403 = arith.index_cast %mul3A_346 : i32 to index
        %get3A_404 = tpu.vector_load %arg8[%get3A_401, %get3A_402, %get3A_403] {strides = array<i32>} : memref<2x16x1024xf32, #tpu.memory_space<vmem>>, vector<1x1x16xf32>,
        %get3A_405 = vector.shape_cast %get3A_404 : vector<1x1x16xf32> to vector<16xf32>
        %add3A_406 = arith.addf %get3A_398, %get3A_405 : vector<16xf32>
        %swap3A_407 = arith.constant 1 : i32
        %swap3A_408 = arith.constant 2 : i32
        %swap3A_409 = arith.index_cast %swap3A_407 : i32 to index
        %swap3A_410 = arith.index_cast %swap3A_408 : i32 to index
        %swap3A_411 = arith.index_cast %mul3A_346 : i32 to index
        %swap3A_412 = tpu.vector_load %arg9[%swap3A_409, %swap3A_410, %swap3A_411] {strides = array<i32>} : memref<2x16x1024xf32, #tpu.memory_space<vmem>>, vector<1x1x16xf32>,
        %swap3A_413 = vector.shape_cast %swap3A_412 : vector<1x1x16xf32> to vector<16xf32>
        %swap3A_414 = vector.shape_cast %add3A_406 : vector<16xf32> to vector<1x1x16xf32>
        tpu.vector_store %arg9[%swap3A_409, %swap3A_410, %swap3A_411], %swap3A_414 {strides = array<i32>} : memref<2x16x1024xf32, #tpu.memory_space<vmem>>, vector<1x1x16xf32>,
        %get3A_415 = arith.constant 1 : i32
        %get3A_416 = arith.constant 3 : i32
        %get3A_417 = arith.index_cast %get3A_415 : i32 to index
        %get3A_418 = arith.index_cast %get3A_416 : i32 to index
        %get3A_419 = arith.index_cast %mul3A_346 : i32 to index
        %get3A_420 = tpu.vector_load %arg7[%get3A_417, %get3A_418, %get3A_419] {strides = array<i32>} : memref<2x16x1024xf32, #tpu.memory_space<vmem>>, vector<1x1x16xf32>,
        %get3A_421 = vector.shape_cast %get3A_420 : vector<1x1x16xf32> to vector<16xf32>
        %get3A_422 = arith.constant 1 : i32
        %get3A_423 = arith.constant 3 : i32
        %get3A_424 = arith.index_cast %get3A_422 : i32 to index
        %get3A_425 = arith.index_cast %get3A_423 : i32 to index
        %get3A_426 = arith.index_cast %mul3A_346 : i32 to index
        %get3A_427 = tpu.vector_load %arg8[%get3A_424, %get3A_425, %get3A_426] {strides = array<i32>} : memref<2x16x1024xf32, #tpu.memory_space<vmem>>, vector<1x1x16xf32>,
        %get3A_428 = vector.shape_cast %get3A_427 : vector<1x1x16xf32> to vector<16xf32>
        %add3A_429 = arith.addf %get3A_421, %get3A_428 : vector<16xf32>
        %swap3A_430 = arith.constant 1 : i32
        %swap3A_431 = arith.constant 3 : i32
        %swap3A_432 = arith.index_cast %swap3A_430 : i32 to index
        %swap3A_433 = arith.index_cast %swap3A_431 : i32 to index
        %swap3A_434 = arith.index_cast %mul3A_346 : i32 to index
        %swap3A_435 = tpu.vector_load %arg9[%swap3A_432, %swap3A_433, %swap3A_434] {strides = array<i32>} : memref<2x16x1024xf32, #tpu.memory_space<vmem>>, vector<1x1x16xf32>,
        %swap3A_436 = vector.shape_cast %swap3A_435 : vector<1x1x16xf32> to vector<16xf32>
        %swap3A_437 = vector.shape_cast %add3A_429 : vector<16xf32> to vector<1x1x16xf32>
        tpu.vector_store %arg9[%swap3A_432, %swap3A_433, %swap3A_434], %swap3A_437 {strides = array<i32>} : memref<2x16x1024xf32, #tpu.memory_space<vmem>>, vector<1x1x16xf32>,
        %get3A_438 = arith.constant 1 : i32
        %get3A_439 = arith.constant 4 : i32
        %get3A_440 = arith.index_cast %get3A_438 : i32 to index
        %get3A_441 = arith.index_cast %get3A_439 : i32 to index
        %get3A_442 = arith.index_cast %mul3A_346 : i32 to index
        %get3A_443 = tpu.vector_load %arg7[%get3A_440, %get3A_441, %get3A_442] {strides = array<i32>} : memref<2x16x1024xf32, #tpu.memory_space<vmem>>, vector<1x1x16xf32>,
        %get3A_444 = vector.shape_cast %get3A_443 : vector<1x1x16xf32> to vector<16xf32>
        %get3A_445 = arith.constant 1 : i32
        %get3A_446 = arith.constant 4 : i32
        %get3A_447 = arith.index_cast %get3A_445 : i32 to index
        %get3A_448 = arith.index_cast %get3A_446 : i32 to index
        %get3A_449 = arith.index_cast %mul3A_346 : i32 to index
        %get3A_450 = tpu.vector_load %arg8[%get3A_447, %get3A_448, %get3A_449] {strides = array<i32>} : memref<2x16x1024xf32, #tpu.memory_space<vmem>>, vector<1x1x16xf32>,
        %get3A_451 = vector.shape_cast %get3A_450 : vector<1x1x16xf32> to vector<16xf32>
        %add3A_452 = arith.addf %get3A_444, %get3A_451 : vector<16xf32>
        %swap3A_453 = arith.constant 1 : i32
        %swap3A_454 = arith.constant 4 : i32
        %swap3A_455 = arith.index_cast %swap3A_453 : i32 to index
        %swap3A_456 = arith.index_cast %swap3A_454 : i32 to index
        %swap3A_457 = arith.index_cast %mul3A_346 : i32 to index
        %swap3A_458 = tpu.vector_load %arg9[%swap3A_455, %swap3A_456, %swap3A_457] {strides = array<i32>} : memref<2x16x1024xf32, #tpu.memory_space<vmem>>, vector<1x1x16xf32>,
        %swap3A_459 = vector.shape_cast %swap3A_458 : vector<1x1x16xf32> to vector<16xf32>
        %swap3A_460 = vector.shape_cast %add3A_452 : vector<16xf32> to vector<1x1x16xf32>
        tpu.vector_store %arg9[%swap3A_455, %swap3A_456, %swap3A_457], %swap3A_460 {strides = array<i32>} : memref<2x16x1024xf32, #tpu.memory_space<vmem>>, vector<1x1x16xf32>,
        %get3A_461 = arith.constant 1 : i32
        %get3A_462 = arith.constant 5 : i32
        %get3A_463 = arith.index_cast %get3A_461 : i32 to index
        %get3A_464 = arith.index_cast %get3A_462 : i32 to index
        %get3A_465 = arith.index_cast %mul3A_346 : i32 to index
        %get3A_466 = tpu.vector_load %arg7[%get3A_463, %get3A_464, %get3A_465] {strides = array<i32>} : memref<2x16x1024xf32, #tpu.memory_space<vmem>>, vector<1x1x16xf32>,
        %get3A_467 = vector.shape_cast %get3A_466 : vector<1x1x16xf32> to vector<16xf32>
        %get3A_468 = arith.constant 1 : i32
        %get3A_469 = arith.constant 5 : i32
        %get3A_470 = arith.index_cast %get3A_468 : i32 to index
        %get3A_471 = arith.index_cast %get3A_469 : i32 to index
        %get3A_472 = arith.index_cast %mul3A_346 : i32 to index
        %get3A_473 = tpu.vector_load %arg8[%get3A_470, %get3A_471, %get3A_472] {strides = array<i32>} : memref<2x16x1024xf32, #tpu.memory_space<vmem>>, vector<1x1x16xf32>,
        %get3A_474 = vector.shape_cast %get3A_473 : vector<1x1x16xf32> to vector<16xf32>
        %add3A_475 = arith.addf %get3A_467, %get3A_474 : vector<16xf32>
        %swap3A_476 = arith.constant 1 : i32
        %swap3A_477 = arith.constant 5 : i32
        %swap3A_478 = arith.index_cast %swap3A_476 : i32 to index
        %swap3A_479 = arith.index_cast %swap3A_477 : i32 to index
        %swap3A_480 = arith.index_cast %mul3A_346 : i32 to index
        %swap3A_481 = tpu.vector_load %arg9[%swap3A_478, %swap3A_479, %swap3A_480] {strides = array<i32>} : memref<2x16x1024xf32, #tpu.memory_space<vmem>>, vector<1x1x16xf32>,
        %swap3A_482 = vector.shape_cast %swap3A_481 : vector<1x1x16xf32> to vector<16xf32>
        %swap3A_483 = vector.shape_cast %add3A_475 : vector<16xf32> to vector<1x1x16xf32>
        tpu.vector_store %arg9[%swap3A_478, %swap3A_479, %swap3A_480], %swap3A_483 {strides = array<i32>} : memref<2x16x1024xf32, #tpu.memory_space<vmem>>, vector<1x1x16xf32>,
        %get3A_484 = arith.constant 1 : i32
        %get3A_485 = arith.constant 6 : i32
        %get3A_486 = arith.index_cast %get3A_484 : i32 to index
        %get3A_487 = arith.index_cast %get3A_485 : i32 to index
        %get3A_488 = arith.index_cast %mul3A_346 : i32 to index
        %get3A_489 = tpu.vector_load %arg7[%get3A_486, %get3A_487, %get3A_488] {strides = array<i32>} : memref<2x16x1024xf32, #tpu.memory_space<vmem>>, vector<1x1x16xf32>,
        %get3A_490 = vector.shape_cast %get3A_489 : vector<1x1x16xf32> to vector<16xf32>
        %get3A_491 = arith.constant 1 : i32
        %get3A_492 = arith.constant 6 : i32
        %get3A_493 = arith.index_cast %get3A_491 : i32 to index
        %get3A_494 = arith.index_cast %get3A_492 : i32 to index
        %get3A_495 = arith.index_cast %mul3A_346 : i32 to index
        %get3A_496 = tpu.vector_load %arg8[%get3A_493, %get3A_494, %get3A_495] {strides = array<i32>} : memref<2x16x1024xf32, #tpu.memory_space<vmem>>, vector<1x1x16xf32>,
        %get3A_497 = vector.shape_cast %get3A_496 : vector<1x1x16xf32> to vector<16xf32>
        %add3A_498 = arith.addf %get3A_490, %get3A_497 : vector<16xf32>
        %swap3A_499 = arith.constant 1 : i32
        %swap3A_500 = arith.constant 6 : i32
        %swap3A_501 = arith.index_cast %swap3A_499 : i32 to index
        %swap3A_502 = arith.index_cast %swap3A_500 : i32 to index
        %swap3A_503 = arith.index_cast %mul3A_346 : i32 to index
        %swap3A_504 = tpu.vector_load %arg9[%swap3A_501, %swap3A_502, %swap3A_503] {strides = array<i32>} : memref<2x16x1024xf32, #tpu.memory_space<vmem>>, vector<1x1x16xf32>,
        %swap3A_505 = vector.shape_cast %swap3A_504 : vector<1x1x16xf32> to vector<16xf32>
        %swap3A_506 = vector.shape_cast %add3A_498 : vector<16xf32> to vector<1x1x16xf32>
        tpu.vector_store %arg9[%swap3A_501, %swap3A_502, %swap3A_503], %swap3A_506 {strides = array<i32>} : memref<2x16x1024xf32, #tpu.memory_space<vmem>>, vector<1x1x16xf32>,
        %get3A_507 = arith.constant 1 : i32
        %get3A_508 = arith.constant 7 : i32
        %get3A_509 = arith.index_cast %get3A_507 : i32 to index
        %get3A_510 = arith.index_cast %get3A_508 : i32 to index
        %get3A_511 = arith.index_cast %mul3A_346 : i32 to index
        %get3A_512 = tpu.vector_load %arg7[%get3A_509, %get3A_510, %get3A_511] {strides = array<i32>} : memref<2x16x1024xf32, #tpu.memory_space<vmem>>, vector<1x1x16xf32>,
        %get3A_513 = vector.shape_cast %get3A_512 : vector<1x1x16xf32> to vector<16xf32>
        %get3A_514 = arith.constant 1 : i32
        %get3A_515 = arith.constant 7 : i32
        %get3A_516 = arith.index_cast %get3A_514 : i32 to index
        %get3A_517 = arith.index_cast %get3A_515 : i32 to index
        %get3A_518 = arith.index_cast %mul3A_346 : i32 to index
        %get3A_519 = tpu.vector_load %arg8[%get3A_516, %get3A_517, %get3A_518] {strides = array<i32>} : memref<2x16x1024xf32, #tpu.memory_space<vmem>>, vector<1x1x16xf32>,
        %get3A_520 = vector.shape_cast %get3A_519 : vector<1x1x16xf32> to vector<16xf32>
        %add3A_521 = arith.addf %get3A_513, %get3A_520 : vector<16xf32>
        %swap3A_522 = arith.constant 1 : i32
        %swap3A_523 = arith.constant 7 : i32
        %swap3A_524 = arith.index_cast %swap3A_522 : i32 to index
        %swap3A_525 = arith.index_cast %swap3A_523 : i32 to index
        %swap3A_526 = arith.index_cast %mul3A_346 : i32 to index
        %swap3A_527 = tpu.vector_load %arg9[%swap3A_524, %swap3A_525, %swap3A_526] {strides = array<i32>} : memref<2x16x1024xf32, #tpu.memory_space<vmem>>, vector<1x1x16xf32>,
        %swap3A_528 = vector.shape_cast %swap3A_527 : vector<1x1x16xf32> to vector<16xf32>
        %swap3A_529 = vector.shape_cast %add3A_521 : vector<16xf32> to vector<1x1x16xf32>
        tpu.vector_store %arg9[%swap3A_524, %swap3A_525, %swap3A_526], %swap3A_529 {strides = array<i32>} : memref<2x16x1024xf32, #tpu.memory_space<vmem>>, vector<1x1x16xf32>,
      }
      %scan3A_285 = arith.constant 64 : i32
      %add3A_286 = arith.constant 0 : i32
      %add3A_287 = arith.addi %add3A_250, %add3A_286 : i32
      %dma_start3A_288 = arith.constant 1 : i32
      %dma_start3A_289 = arith.constant 0 : i32
      %dma_start3A_290 = arith.constant 0 : i32
      %dma_start3A_291 = tpu.memref_slice %arg9[%dma_start3A_288, %dma_start3A_289, %dma_start3A_290] : memref<2x16x1024xf32, #tpu.memory_space<vmem>> -> memref<1x16x1024xf32, #tpu.memory_space<vmem>>
      %dma_start3A_292 = tpu.memref_squeeze %dma_start3A_291 : memref<1x16x1024xf32, #tpu.memory_space<vmem>> -> memref<16x1024xf32, #tpu.memory_space<vmem>>
      %dma_start3A_293 = arith.constant 0 : i32
      %dma_start3A_294 = arith.constant 0 : i32
      %dma_start3A_295 = tpu.memref_slice %dma_start3A_292[%dma_start3A_293, %dma_start3A_294] : memref<16x1024xf32, #tpu.memory_space<vmem>> -> memref<8x1024xf32, #tpu.memory_space<vmem>>
      %dma_start3A_296 = arith.constant 0 : i32
      %dma_start3A_297 = tpu.memref_slice %arg5[%add3A_287, %dma_start3A_296] : memref<65536x1024xf32, #tpu.memory_space<hbm>> -> memref<8x1024xf32, #tpu.memory_space<hbm>>
      %dma_start3A_298 = arith.constant 0 : i32
      %dma_start3A_299 = tpu.memref_slice %arg5[%add3A_287, %dma_start3A_298] : memref<65536x1024xf32, #tpu.memory_space<hbm>> -> memref<8x1024xf32, #tpu.memory_space<hbm>>
      %dma_start3A_300 = arith.constant 0 : i32
      %dma_start3A_301 = arith.constant 0 : i32
      %dma_start3A_302 = tpu.memref_slice %arg9[%dma_start3A_288, %dma_start3A_300, %dma_start3A_301] : memref<2x16x1024xf32, #tpu.memory_space<vmem>> -> memref<1x16x1024xf32, #tpu.memory_space<vmem>>
      %dma_start3A_303 = tpu.memref_squeeze %dma_start3A_302 : memref<1x16x1024xf32, #tpu.memory_space<vmem>> -> memref<16x1024xf32, #tpu.memory_space<vmem>>
      %dma_start3A_304 = arith.constant 0 : i32
      %dma_start3A_305 = arith.constant 0 : i32
      %dma_start3A_306 = tpu.memref_slice %dma_start3A_303[%dma_start3A_304, %dma_start3A_305] : memref<16x1024xf32, #tpu.memory_space<vmem>> -> memref<8x1024xf32, #tpu.memory_space<vmem>>
      tpu.enqueue_dma source(%dma_start3A_306 : memref<8x1024xf32, #tpu.memory_space<vmem>>) target(%dma_start3A_299 : memref<8x1024xf32, #tpu.memory_space<hbm>>) target_semaphore(%arg13 : memref<!tpu.dma_semaphore, #tpu.memory_space<semaphore_mem>>)
      %scan3A_307 = arith.constant 0 : i32
      %scan3A_308 = arith.constant 64 : i32
      %scan3A_309 = arith.addi %scan3A_307, %scan3A_308 : i32
      %scan3A_310 = arith.constant 1 : i32
      scf.for %scan3A_340 = %scan3A_307 to %scan3A_309 step %scan3A_310  : i32 {
        %mul3A_341 = arith.constant 1 : i32
        %mul3A_342 = arith.muli %scan3A_340, %mul3A_341 : i32
        %add3A_343 = arith.constant 0 : i32
        %add3A_344 = arith.addi %add3A_343, %mul3A_342 : i32
        %mul3A_345 = arith.constant 16 : i32
        %mul3A_346 = arith.muli %add3A_344, %mul3A_345 : i32
        %get3A_347 = arith.constant 1 : i32
        %get3A_348 = arith.constant 8 : i32
        %get3A_349 = arith.index_cast %get3A_347 : i32 to index
        %get3A_350 = arith.index_cast %get3A_348 : i32 to index
        %get3A_351 = arith.index_cast %mul3A_346 : i32 to index
        %get3A_352 = tpu.vector_load %arg7[%get3A_349, %get3A_350, %get3A_351] {strides = array<i32>} : memref<2x16x1024xf32, #tpu.memory_space<vmem>>, vector<1x1x16xf32>,
        %get3A_353 = vector.shape_cast %get3A_352 : vector<1x1x16xf32> to vector<16xf32>
        %get3A_354 = arith.constant 1 : i32
        %get3A_355 = arith.constant 8 : i32
        %get3A_356 = arith.index_cast %get3A_354 : i32 to index
        %get3A_357 = arith.index_cast %get3A_355 : i32 to index
        %get3A_358 = arith.index_cast %mul3A_346 : i32 to index
        %get3A_359 = tpu.vector_load %arg8[%get3A_356, %get3A_357, %get3A_358] {strides = array<i32>} : memref<2x16x1024xf32, #tpu.memory_space<vmem>>, vector<1x1x16xf32>,
        %get3A_360 = vector.shape_cast %get3A_359 : vector<1x1x16xf32> to vector<16xf32>
        %add3A_361 = arith.addf %get3A_353, %get3A_360 : vector<16xf32>
        %swap3A = arith.constant 1 : i32
        %swap3A_362 = arith.constant 8 : i32
        %swap3A_363 = arith.index_cast %swap3A : i32 to index
        %swap3A_364 = arith.index_cast %swap3A_362 : i32 to index
        %swap3A_365 = arith.index_cast %mul3A_346 : i32 to index
        %swap3A_366 = tpu.vector_load %arg9[%swap3A_363, %swap3A_364, %swap3A_365] {strides = array<i32>} : memref<2x16x1024xf32, #tpu.memory_space<vmem>>, vector<1x1x16xf32>,
        %swap3A_367 = vector.shape_cast %swap3A_366 : vector<1x1x16xf32> to vector<16xf32>
        %swap3A_368 = vector.shape_cast %add3A_361 : vector<16xf32> to vector<1x1x16xf32>
        tpu.vector_store %arg9[%swap3A_363, %swap3A_364, %swap3A_365], %swap3A_368 {strides = array<i32>} : memref<2x16x1024xf32, #tpu.memory_space<vmem>>, vector<1x1x16xf32>,
        %get3A_369 = arith.constant 1 : i32
        %get3A_370 = arith.constant 9 : i32
        %get3A_371 = arith.index_cast %get3A_369 : i32 to index
        %get3A_372 = arith.index_cast %get3A_370 : i32 to index
        %get3A_373 = arith.index_cast %mul3A_346 : i32 to index
        %get3A_374 = tpu.vector_load %arg7[%get3A_371, %get3A_372, %get3A_373] {strides = array<i32>} : memref<2x16x1024xf32, #tpu.memory_space<vmem>>, vector<1x1x16xf32>,
        %get3A_375 = vector.shape_cast %get3A_374 : vector<1x1x16xf32> to vector<16xf32>
        %get3A_376 = arith.constant 1 : i32
        %get3A_377 = arith.constant 9 : i32
        %get3A_378 = arith.index_cast %get3A_376 : i32 to index
        %get3A_379 = arith.index_cast %get3A_377 : i32 to index
        %get3A_380 = arith.index_cast %mul3A_346 : i32 to index
        %get3A_381 = tpu.vector_load %arg8[%get3A_378, %get3A_379, %get3A_380] {strides = array<i32>} : memref<2x16x1024xf32, #tpu.memory_space<vmem>>, vector<1x1x16xf32>,
        %get3A_382 = vector.shape_cast %get3A_381 : vector<1x1x16xf32> to vector<16xf32>
        %add3A_383 = arith.addf %get3A_375, %get3A_382 : vector<16xf32>
        %swap3A_384 = arith.constant 1 : i32
        %swap3A_385 = arith.constant 9 : i32
        %swap3A_386 = arith.index_cast %swap3A_384 : i32 to index
        %swap3A_387 = arith.index_cast %swap3A_385 : i32 to index
        %swap3A_388 = arith.index_cast %mul3A_346 : i32 to index
        %swap3A_389 = tpu.vector_load %arg9[%swap3A_386, %swap3A_387, %swap3A_388] {strides = array<i32>} : memref<2x16x1024xf32, #tpu.memory_space<vmem>>, vector<1x1x16xf32>,
        %swap3A_390 = vector.shape_cast %swap3A_389 : vector<1x1x16xf32> to vector<16xf32>
        %swap3A_391 = vector.shape_cast %add3A_383 : vector<16xf32> to vector<1x1x16xf32>
        tpu.vector_store %arg9[%swap3A_386, %swap3A_387, %swap3A_388], %swap3A_391 {strides = array<i32>} : memref<2x16x1024xf32, #tpu.memory_space<vmem>>, vector<1x1x16xf32>,
        %get3A_392 = arith.constant 1 : i32
        %get3A_393 = arith.constant 10 : i32
        %get3A_394 = arith.index_cast %get3A_392 : i32 to index
        %get3A_395 = arith.index_cast %get3A_393 : i32 to index
        %get3A_396 = arith.index_cast %mul3A_346 : i32 to index
        %get3A_397 = tpu.vector_load %arg7[%get3A_394, %get3A_395, %get3A_396] {strides = array<i32>} : memref<2x16x1024xf32, #tpu.memory_space<vmem>>, vector<1x1x16xf32>,
        %get3A_398 = vector.shape_cast %get3A_397 : vector<1x1x16xf32> to vector<16xf32>
        %get3A_399 = arith.constant 1 : i32
        %get3A_400 = arith.constant 10 : i32
        %get3A_401 = arith.index_cast %get3A_399 : i32 to index
        %get3A_402 = arith.index_cast %get3A_400 : i32 to index
        %get3A_403 = arith.index_cast %mul3A_346 : i32 to index
        %get3A_404 = tpu.vector_load %arg8[%get3A_401, %get3A_402, %get3A_403] {strides = array<i32>} : memref<2x16x1024xf32, #tpu.memory_space<vmem>>, vector<1x1x16xf32>,
        %get3A_405 = vector.shape_cast %get3A_404 : vector<1x1x16xf32> to vector<16xf32>
        %add3A_406 = arith.addf %get3A_398, %get3A_405 : vector<16xf32>
        %swap3A_407 = arith.constant 1 : i32
        %swap3A_408 = arith.constant 10 : i32
        %swap3A_409 = arith.index_cast %swap3A_407 : i32 to index
        %swap3A_410 = arith.index_cast %swap3A_408 : i32 to index
        %swap3A_411 = arith.index_cast %mul3A_346 : i32 to index
        %swap3A_412 = tpu.vector_load %arg9[%swap3A_409, %swap3A_410, %swap3A_411] {strides = array<i32>} : memref<2x16x1024xf32, #tpu.memory_space<vmem>>, vector<1x1x16xf32>,
        %swap3A_413 = vector.shape_cast %swap3A_412 : vector<1x1x16xf32> to vector<16xf32>
        %swap3A_414 = vector.shape_cast %add3A_406 : vector<16xf32> to vector<1x1x16xf32>
        tpu.vector_store %arg9[%swap3A_409, %swap3A_410, %swap3A_411], %swap3A_414 {strides = array<i32>} : memref<2x16x1024xf32, #tpu.memory_space<vmem>>, vector<1x1x16xf32>,
        %get3A_415 = arith.constant 1 : i32
        %get3A_416 = arith.constant 11 : i32
        %get3A_417 = arith.index_cast %get3A_415 : i32 to index
        %get3A_418 = arith.index_cast %get3A_416 : i32 to index
        %get3A_419 = arith.index_cast %mul3A_346 : i32 to index
        %get3A_420 = tpu.vector_load %arg7[%get3A_417, %get3A_418, %get3A_419] {strides = array<i32>} : memref<2x16x1024xf32, #tpu.memory_space<vmem>>, vector<1x1x16xf32>,
        %get3A_421 = vector.shape_cast %get3A_420 : vector<1x1x16xf32> to vector<16xf32>
        %get3A_422 = arith.constant 1 : i32
        %get3A_423 = arith.constant 11 : i32
        %get3A_424 = arith.index_cast %get3A_422 : i32 to index
        %get3A_425 = arith.index_cast %get3A_423 : i32 to index
        %get3A_426 = arith.index_cast %mul3A_346 : i32 to index
        %get3A_427 = tpu.vector_load %arg8[%get3A_424, %get3A_425, %get3A_426] {strides = array<i32>} : memref<2x16x1024xf32, #tpu.memory_space<vmem>>, vector<1x1x16xf32>,
        %get3A_428 = vector.shape_cast %get3A_427 : vector<1x1x16xf32> to vector<16xf32>
        %add3A_429 = arith.addf %get3A_421, %get3A_428 : vector<16xf32>
        %swap3A_430 = arith.constant 1 : i32
        %swap3A_431 = arith.constant 11 : i32
        %swap3A_432 = arith.index_cast %swap3A_430 : i32 to index
        %swap3A_433 = arith.index_cast %swap3A_431 : i32 to index
        %swap3A_434 = arith.index_cast %mul3A_346 : i32 to index
        %swap3A_435 = tpu.vector_load %arg9[%swap3A_432, %swap3A_433, %swap3A_434] {strides = array<i32>} : memref<2x16x1024xf32, #tpu.memory_space<vmem>>, vector<1x1x16xf32>,
        %swap3A_436 = vector.shape_cast %swap3A_435 : vector<1x1x16xf32> to vector<16xf32>
        %swap3A_437 = vector.shape_cast %add3A_429 : vector<16xf32> to vector<1x1x16xf32>
        tpu.vector_store %arg9[%swap3A_432, %swap3A_433, %swap3A_434], %swap3A_437 {strides = array<i32>} : memref<2x16x1024xf32, #tpu.memory_space<vmem>>, vector<1x1x16xf32>,
        %get3A_438 = arith.constant 1 : i32
        %get3A_439 = arith.constant 12 : i32
        %get3A_440 = arith.index_cast %get3A_438 : i32 to index
        %get3A_441 = arith.index_cast %get3A_439 : i32 to index
        %get3A_442 = arith.index_cast %mul3A_346 : i32 to index
        %get3A_443 = tpu.vector_load %arg7[%get3A_440, %get3A_441, %get3A_442] {strides = array<i32>} : memref<2x16x1024xf32, #tpu.memory_space<vmem>>, vector<1x1x16xf32>,
        %get3A_444 = vector.shape_cast %get3A_443 : vector<1x1x16xf32> to vector<16xf32>
        %get3A_445 = arith.constant 1 : i32
        %get3A_446 = arith.constant 12 : i32
        %get3A_447 = arith.index_cast %get3A_445 : i32 to index
        %get3A_448 = arith.index_cast %get3A_446 : i32 to index
        %get3A_449 = arith.index_cast %mul3A_346 : i32 to index
        %get3A_450 = tpu.vector_load %arg8[%get3A_447, %get3A_448, %get3A_449] {strides = array<i32>} : memref<2x16x1024xf32, #tpu.memory_space<vmem>>, vector<1x1x16xf32>,
        %get3A_451 = vector.shape_cast %get3A_450 : vector<1x1x16xf32> to vector<16xf32>
        %add3A_452 = arith.addf %get3A_444, %get3A_451 : vector<16xf32>
        %swap3A_453 = arith.constant 1 : i32
        %swap3A_454 = arith.constant 12 : i32
        %swap3A_455 = arith.index_cast %swap3A_453 : i32 to index
        %swap3A_456 = arith.index_cast %swap3A_454 : i32 to index
        %swap3A_457 = arith.index_cast %mul3A_346 : i32 to index
        %swap3A_458 = tpu.vector_load %arg9[%swap3A_455, %swap3A_456, %swap3A_457] {strides = array<i32>} : memref<2x16x1024xf32, #tpu.memory_space<vmem>>, vector<1x1x16xf32>,
        %swap3A_459 = vector.shape_cast %swap3A_458 : vector<1x1x16xf32> to vector<16xf32>
        %swap3A_460 = vector.shape_cast %add3A_452 : vector<16xf32> to vector<1x1x16xf32>
        tpu.vector_store %arg9[%swap3A_455, %swap3A_456, %swap3A_457], %swap3A_460 {strides = array<i32>} : memref<2x16x1024xf32, #tpu.memory_space<vmem>>, vector<1x1x16xf32>,
        %get3A_461 = arith.constant 1 : i32
        %get3A_462 = arith.constant 13 : i32
        %get3A_463 = arith.index_cast %get3A_461 : i32 to index
        %get3A_464 = arith.index_cast %get3A_462 : i32 to index
        %get3A_465 = arith.index_cast %mul3A_346 : i32 to index
        %get3A_466 = tpu.vector_load %arg7[%get3A_463, %get3A_464, %get3A_465] {strides = array<i32>} : memref<2x16x1024xf32, #tpu.memory_space<vmem>>, vector<1x1x16xf32>,
        %get3A_467 = vector.shape_cast %get3A_466 : vector<1x1x16xf32> to vector<16xf32>
        %get3A_468 = arith.constant 1 : i32
        %get3A_469 = arith.constant 13 : i32
        %get3A_470 = arith.index_cast %get3A_468 : i32 to index
        %get3A_471 = arith.index_cast %get3A_469 : i32 to index
        %get3A_472 = arith.index_cast %mul3A_346 : i32 to index
        %get3A_473 = tpu.vector_load %arg8[%get3A_470, %get3A_471, %get3A_472] {strides = array<i32>} : memref<2x16x1024xf32, #tpu.memory_space<vmem>>, vector<1x1x16xf32>,
        %get3A_474 = vector.shape_cast %get3A_473 : vector<1x1x16xf32> to vector<16xf32>
        %add3A_475 = arith.addf %get3A_467, %get3A_474 : vector<16xf32>
        %swap3A_476 = arith.constant 1 : i32
        %swap3A_477 = arith.constant 13 : i32
        %swap3A_478 = arith.index_cast %swap3A_476 : i32 to index
        %swap3A_479 = arith.index_cast %swap3A_477 : i32 to index
        %swap3A_480 = arith.index_cast %mul3A_346 : i32 to index
        %swap3A_481 = tpu.vector_load %arg9[%swap3A_478, %swap3A_479, %swap3A_480] {strides = array<i32>} : memref<2x16x1024xf32, #tpu.memory_space<vmem>>, vector<1x1x16xf32>,
        %swap3A_482 = vector.shape_cast %swap3A_481 : vector<1x1x16xf32> to vector<16xf32>
        %swap3A_483 = vector.shape_cast %add3A_475 : vector<16xf32> to vector<1x1x16xf32>
        tpu.vector_store %arg9[%swap3A_478, %swap3A_479, %swap3A_480], %swap3A_483 {strides = array<i32>} : memref<2x16x1024xf32, #tpu.memory_space<vmem>>, vector<1x1x16xf32>,
        %get3A_484 = arith.constant 1 : i32
        %get3A_485 = arith.constant 14 : i32
        %get3A_486 = arith.index_cast %get3A_484 : i32 to index
        %get3A_487 = arith.index_cast %get3A_485 : i32 to index
        %get3A_488 = arith.index_cast %mul3A_346 : i32 to index
        %get3A_489 = tpu.vector_load %arg7[%get3A_486, %get3A_487, %get3A_488] {strides = array<i32>} : memref<2x16x1024xf32, #tpu.memory_space<vmem>>, vector<1x1x16xf32>,
        %get3A_490 = vector.shape_cast %get3A_489 : vector<1x1x16xf32> to vector<16xf32>
        %get3A_491 = arith.constant 1 : i32
        %get3A_492 = arith.constant 14 : i32
        %get3A_493 = arith.index_cast %get3A_491 : i32 to index
        %get3A_494 = arith.index_cast %get3A_492 : i32 to index
        %get3A_495 = arith.index_cast %mul3A_346 : i32 to index
        %get3A_496 = tpu.vector_load %arg8[%get3A_493, %get3A_494, %get3A_495] {strides = array<i32>} : memref<2x16x1024xf32, #tpu.memory_space<vmem>>, vector<1x1x16xf32>,
        %get3A_497 = vector.shape_cast %get3A_496 : vector<1x1x16xf32> to vector<16xf32>
        %add3A_498 = arith.addf %get3A_490, %get3A_497 : vector<16xf32>
        %swap3A_499 = arith.constant 1 : i32
        %swap3A_500 = arith.constant 14 : i32
        %swap3A_501 = arith.index_cast %swap3A_499 : i32 to index
        %swap3A_502 = arith.index_cast %swap3A_500 : i32 to index
        %swap3A_503 = arith.index_cast %mul3A_346 : i32 to index
        %swap3A_504 = tpu.vector_load %arg9[%swap3A_501, %swap3A_502, %swap3A_503] {strides = array<i32>} : memref<2x16x1024xf32, #tpu.memory_space<vmem>>, vector<1x1x16xf32>,
        %swap3A_505 = vector.shape_cast %swap3A_504 : vector<1x1x16xf32> to vector<16xf32>
        %swap3A_506 = vector.shape_cast %add3A_498 : vector<16xf32> to vector<1x1x16xf32>
        tpu.vector_store %arg9[%swap3A_501, %swap3A_502, %swap3A_503], %swap3A_506 {strides = array<i32>} : memref<2x16x1024xf32, #tpu.memory_space<vmem>>, vector<1x1x16xf32>,
        %get3A_507 = arith.constant 1 : i32
        %get3A_508 = arith.constant 15 : i32
        %get3A_509 = arith.index_cast %get3A_507 : i32 to index
        %get3A_510 = arith.index_cast %get3A_508 : i32 to index
        %get3A_511 = arith.index_cast %mul3A_346 : i32 to index
        %get3A_512 = tpu.vector_load %arg7[%get3A_509, %get3A_510, %get3A_511] {strides = array<i32>} : memref<2x16x1024xf32, #tpu.memory_space<vmem>>, vector<1x1x16xf32>,
        %get3A_513 = vector.shape_cast %get3A_512 : vector<1x1x16xf32> to vector<16xf32>
        %get3A_514 = arith.constant 1 : i32
        %get3A_515 = arith.constant 15 : i32
        %get3A_516 = arith.index_cast %get3A_514 : i32 to index
        %get3A_517 = arith.index_cast %get3A_515 : i32 to index
        %get3A_518 = arith.index_cast %mul3A_346 : i32 to index
        %get3A_519 = tpu.vector_load %arg8[%get3A_516, %get3A_517, %get3A_518] {strides = array<i32>} : memref<2x16x1024xf32, #tpu.memory_space<vmem>>, vector<1x1x16xf32>,
        %get3A_520 = vector.shape_cast %get3A_519 : vector<1x1x16xf32> to vector<16xf32>
        %add3A_521 = arith.addf %get3A_513, %get3A_520 : vector<16xf32>
        %swap3A_522 = arith.constant 1 : i32
        %swap3A_523 = arith.constant 15 : i32
        %swap3A_524 = arith.index_cast %swap3A_522 : i32 to index
        %swap3A_525 = arith.index_cast %swap3A_523 : i32 to index
        %swap3A_526 = arith.index_cast %mul3A_346 : i32 to index
        %swap3A_527 = tpu.vector_load %arg9[%swap3A_524, %swap3A_525, %swap3A_526] {strides = array<i32>} : memref<2x16x1024xf32, #tpu.memory_space<vmem>>, vector<1x1x16xf32>,
        %swap3A_528 = vector.shape_cast %swap3A_527 : vector<1x1x16xf32> to vector<16xf32>
        %swap3A_529 = vector.shape_cast %add3A_521 : vector<16xf32> to vector<1x1x16xf32>
        tpu.vector_store %arg9[%swap3A_524, %swap3A_525, %swap3A_526], %swap3A_529 {strides = array<i32>} : memref<2x16x1024xf32, #tpu.memory_space<vmem>>, vector<1x1x16xf32>,
      }
      %scan3A_311 = arith.constant 64 : i32
      %add3A_312 = arith.constant 8 : i32
      %add3A_313 = arith.addi %add3A_250, %add3A_312 : i32
      %dma_start3A_314 = arith.constant 1 : i32
      %dma_start3A_315 = arith.constant 0 : i32
      %dma_start3A_316 = arith.constant 0 : i32
      %dma_start3A_317 = tpu.memref_slice %arg9[%dma_start3A_314, %dma_start3A_315, %dma_start3A_316] : memref<2x16x1024xf32, #tpu.memory_space<vmem>> -> memref<1x16x1024xf32, #tpu.memory_space<vmem>>
      %dma_start3A_318 = tpu.memref_squeeze %dma_start3A_317 : memref<1x16x1024xf32, #tpu.memory_space<vmem>> -> memref<16x1024xf32, #tpu.memory_space<vmem>>
      %dma_start3A_319 = arith.constant 8 : i32
      %dma_start3A_320 = arith.constant 0 : i32
      %dma_start3A_321 = tpu.memref_slice %dma_start3A_318[%dma_start3A_319, %dma_start3A_320] : memref<16x1024xf32, #tpu.memory_space<vmem>> -> memref<8x1024xf32, #tpu.memory_space<vmem>>
      %dma_start3A_322 = arith.constant 0 : i32
      %dma_start3A_323 = tpu.memref_slice %arg5[%add3A_313, %dma_start3A_322] : memref<65536x1024xf32, #tpu.memory_space<hbm>> -> memref<8x1024xf32, #tpu.memory_space<hbm>>
      %dma_start3A_324 = arith.constant 0 : i32
      %dma_start3A_325 = tpu.memref_slice %arg5[%add3A_313, %dma_start3A_324] : memref<65536x1024xf32, #tpu.memory_space<hbm>> -> memref<8x1024xf32, #tpu.memory_space<hbm>>
      %dma_start3A_326 = arith.constant 0 : i32
      %dma_start3A_327 = arith.constant 0 : i32
      %dma_start3A_328 = tpu.memref_slice %arg9[%dma_start3A_314, %dma_start3A_326, %dma_start3A_327] : memref<2x16x1024xf32, #tpu.memory_space<vmem>> -> memref<1x16x1024xf32, #tpu.memory_space<vmem>>
      %dma_start3A_329 = tpu.memref_squeeze %dma_start3A_328 : memref<1x16x1024xf32, #tpu.memory_space<vmem>> -> memref<16x1024xf32, #tpu.memory_space<vmem>>
      %dma_start3A_330 = arith.constant 8 : i32
      %dma_start3A_331 = arith.constant 0 : i32
      %dma_start3A_332 = tpu.memref_slice %dma_start3A_329[%dma_start3A_330, %dma_start3A_331] : memref<16x1024xf32, #tpu.memory_space<vmem>> -> memref<8x1024xf32, #tpu.memory_space<vmem>>
      tpu.enqueue_dma source(%dma_start3A_332 : memref<8x1024xf32, #tpu.memory_space<vmem>>) target(%dma_start3A_325 : memref<8x1024xf32, #tpu.memory_space<hbm>>) target_semaphore(%arg13 : memref<!tpu.dma_semaphore, #tpu.memory_space<semaphore_mem>>)
      %add3A_333 = arith.constant 2 : i32
      %add3A_334 = arith.addi %add3A_247, %add3A_333 : i32
      %lt3A_335 = arith.constant 128 : i32
      %lt3A_336 = arith.cmpi slt, %add3A_334, %lt3A_335 : i32
      %convert_element_type3A_337 = arith.extui %lt3A_336 : i1 to i32
      %cond3A_338 = arith.constant 0 : i32
      %cond3A_339 = arith.cmpi ne, %convert_element_type3A_337, %cond3A_338 : i32
      scf.if %cond3A_339 {
        %add3A_340 = arith.constant 32 : i32
        %add3A_341 = arith.addi %add3A_250, %add3A_340 : i32
        %sub3A_342 = arith.constant 16 : i32
        %sub3A_343 = arith.subi %add3A_341, %sub3A_342 : i32
        %add3A_344 = vector.broadcast %sub3A_343 : i32 to vector<16xi32>
        %add3A_345 = arith.addi %get3A_7, %add3A_344 : vector<16xi32>
        %dma_start3A_346 = arith.constant 1 : i32
        %dma_start3A_347 = arith.constant 0 : i32
        %dma_start3A_348 = arith.constant 0 : i32
        %dma_start3A_349 = tpu.memref_slice %arg7[%dma_start3A_346, %dma_start3A_347, %dma_start3A_348] : memref<2x16x1024xf32, #tpu.memory_space<vmem>> -> memref<1x16x1024xf32, #tpu.memory_space<vmem>>
        %dma_start3A_350 = tpu.memref_squeeze %dma_start3A_349 : memref<1x16x1024xf32, #tpu.memory_space<vmem>> -> memref<16x1024xf32, #tpu.memory_space<vmem>>
        %dma_start3A_351 = arith.constant 0 : i32
        %dma_start3A_352 = arith.constant 0 : i32
        %dma_start3A_353 = tpu.memref_slice %arg4[%dma_start3A_351, %dma_start3A_352] : memref<65536x1024xf32, #tpu.memory_space<hbm>> -> memref<65536x1024xf32, #tpu.memory_space<hbm>>
        tpu.enqueue_indirect_dma source(%dma_start3A_353 : memref<65536x1024xf32, #tpu.memory_space<hbm>>) target(%dma_start3A_350 : memref<16x1024xf32, #tpu.memory_space<vmem>>) offsets(%add3A_345 : vector<16xi32>) semaphore(%arg11 : memref<!tpu.dma_semaphore, #tpu.memory_space<semaphore_mem>>)
        %dma_start3A_354 = arith.constant 1 : i32
        %dma_start3A_355 = arith.constant 0 : i32
        %dma_start3A_356 = arith.constant 0 : i32
        %dma_start3A_357 = tpu.memref_slice %arg8[%dma_start3A_354, %dma_start3A_355, %dma_start3A_356] : memref<2x16x1024xf32, #tpu.memory_space<vmem>> -> memref<1x16x1024xf32, #tpu.memory_space<vmem>>
        %dma_start3A_358 = tpu.memref_squeeze %dma_start3A_357 : memref<1x16x1024xf32, #tpu.memory_space<vmem>> -> memref<16x1024xf32, #tpu.memory_space<vmem>>
        %dma_start3A_359 = arith.constant 0 : i32
        %dma_start3A_360 = tpu.memref_slice %arg2[%add3A_341, %dma_start3A_359] : memref<65536x1024xf32, #tpu.memory_space<hbm>> -> memref<16x1024xf32, #tpu.memory_space<hbm>>
        %dma_start3A_361 = arith.constant 0 : i32
        %dma_start3A_362 = arith.constant 0 : i32
        %dma_start3A_363 = tpu.memref_slice %arg8[%dma_start3A_354, %dma_start3A_361, %dma_start3A_362] : memref<2x16x1024xf32, #tpu.memory_space<vmem>> -> memref<1x16x1024xf32, #tpu.memory_space<vmem>>
        %dma_start3A_364 = tpu.memref_squeeze %dma_start3A_363 : memref<1x16x1024xf32, #tpu.memory_space<vmem>> -> memref<16x1024xf32, #tpu.memory_space<vmem>>
        %dma_start3A_365 = arith.constant 0 : i32
        %dma_start3A_366 = tpu.memref_slice %arg2[%add3A_341, %dma_start3A_365] : memref<65536x1024xf32, #tpu.memory_space<hbm>> -> memref<16x1024xf32, #tpu.memory_space<hbm>>
        tpu.enqueue_dma source(%dma_start3A_366 : memref<16x1024xf32, #tpu.memory_space<hbm>>) target(%dma_start3A_364 : memref<16x1024xf32, #tpu.memory_space<vmem>>) target_semaphore(%arg11 : memref<!tpu.dma_semaphore, #tpu.memory_space<semaphore_mem>>)
      } else {
      }
    }
    %scan3A_63 = arith.constant 64 : i32
    %add3A_64 = arith.constant 2016 : i32
    %add3A_65 = arith.addi %mul3A_2, %add3A_64 : i32
    %add3A_66 = arith.constant 0 : i32
    %add3A_67 = arith.addi %add3A_65, %add3A_66 : i32
    %dma_wait3A = arith.constant 0 : i32
    %dma_wait3A_68 = arith.constant 0 : i32
    %dma_wait3A_69 = arith.constant 0 : i32
    %dma_wait3A_70 = tpu.memref_slice %arg9[%dma_wait3A, %dma_wait3A_68, %dma_wait3A_69] : memref<2x16x1024xf32, #tpu.memory_space<vmem>> -> memref<1x16x1024xf32, #tpu.memory_space<vmem>>
    %dma_wait3A_71 = tpu.memref_squeeze %dma_wait3A_70 : memref<1x16x1024xf32, #tpu.memory_space<vmem>> -> memref<16x1024xf32, #tpu.memory_space<vmem>>
    %dma_wait3A_72 = arith.constant 0 : i32
    %dma_wait3A_73 = arith.constant 0 : i32
    %dma_wait3A_74 = tpu.memref_slice %dma_wait3A_71[%dma_wait3A_72, %dma_wait3A_73] : memref<16x1024xf32, #tpu.memory_space<vmem>> -> memref<8x1024xf32, #tpu.memory_space<vmem>>
    %dma_wait3A_75 = arith.constant 0 : i32
    %dma_wait3A_76 = tpu.memref_slice %arg5[%add3A_67, %dma_wait3A_75] : memref<65536x1024xf32, #tpu.memory_space<hbm>> -> memref<8x1024xf32, #tpu.memory_space<hbm>>
    %dma_wait3A_77 = arith.constant 0 : i32
    %dma_wait3A_78 = tpu.memref_slice %arg5[%add3A_67, %dma_wait3A_77] : memref<65536x1024xf32, #tpu.memory_space<hbm>> -> memref<8x1024xf32, #tpu.memory_space<hbm>>
    %dma_wait3A_79 = arith.constant 0 : i32
    %dma_wait3A_80 = arith.constant 0 : i32
    %dma_wait3A_81 = tpu.memref_slice %arg9[%dma_wait3A, %dma_wait3A_79, %dma_wait3A_80] : memref<2x16x1024xf32, #tpu.memory_space<vmem>> -> memref<1x16x1024xf32, #tpu.memory_space<vmem>>
    %dma_wait3A_82 = tpu.memref_squeeze %dma_wait3A_81 : memref<1x16x1024xf32, #tpu.memory_space<vmem>> -> memref<16x1024xf32, #tpu.memory_space<vmem>>
    %dma_wait3A_83 = arith.constant 0 : i32
    %dma_wait3A_84 = arith.constant 0 : i32
    %dma_wait3A_85 = tpu.memref_slice %dma_wait3A_82[%dma_wait3A_83, %dma_wait3A_84] : memref<16x1024xf32, #tpu.memory_space<vmem>> -> memref<8x1024xf32, #tpu.memory_space<vmem>>
    tpu.wait_dma2 semaphore(%arg12 : memref<!tpu.dma_semaphore, #tpu.memory_space<semaphore_mem>>) src(%dma_wait3A_85 : memref<8x1024xf32, #tpu.memory_space<vmem>>) dst(%dma_wait3A_78 : memref<8x1024xf32, #tpu.memory_space<hbm>>)
    %add3A_86 = arith.constant 8 : i32
    %add3A_87 = arith.addi %add3A_65, %add3A_86 : i32
    %dma_wait3A_88 = arith.constant 0 : i32
    %dma_wait3A_89 = arith.constant 0 : i32
    %dma_wait3A_90 = arith.constant 0 : i32
    %dma_wait3A_91 = tpu.memref_slice %arg9[%dma_wait3A_88, %dma_wait3A_89, %dma_wait3A_90] : memref<2x16x1024xf32, #tpu.memory_space<vmem>> -> memref<1x16x1024xf32, #tpu.memory_space<vmem>>
    %dma_wait3A_92 = tpu.memref_squeeze %dma_wait3A_91 : memref<1x16x1024xf32, #tpu.memory_space<vmem>> -> memref<16x1024xf32, #tpu.memory_space<vmem>>
    %dma_wait3A_93 = arith.constant 8 : i32
    %dma_wait3A_94 = arith.constant 0 : i32
    %dma_wait3A_95 = tpu.memref_slice %dma_wait3A_92[%dma_wait3A_93, %dma_wait3A_94] : memref<16x1024xf32, #tpu.memory_space<vmem>> -> memref<8x1024xf32, #tpu.memory_space<vmem>>
    %dma_wait3A_96 = arith.constant 0 : i32
    %dma_wait3A_97 = tpu.memref_slice %arg5[%add3A_87, %dma_wait3A_96] : memref<65536x1024xf32, #tpu.memory_space<hbm>> -> memref<8x1024xf32, #tpu.memory_space<hbm>>
    %dma_wait3A_98 = arith.constant 0 : i32
    %dma_wait3A_99 = tpu.memref_slice %arg5[%add3A_87, %dma_wait3A_98] : memref<65536x1024xf32, #tpu.memory_space<hbm>> -> memref<8x1024xf32, #tpu.memory_space<hbm>>
    %dma_wait3A_100 = arith.constant 0 : i32
    %dma_wait3A_101 = arith.constant 0 : i32
    %dma_wait3A_102 = tpu.memref_slice %arg9[%dma_wait3A_88, %dma_wait3A_100, %dma_wait3A_101] : memref<2x16x1024xf32, #tpu.memory_space<vmem>> -> memref<1x16x1024xf32, #tpu.memory_space<vmem>>
    %dma_wait3A_103 = tpu.memref_squeeze %dma_wait3A_102 : memref<1x16x1024xf32, #tpu.memory_space<vmem>> -> memref<16x1024xf32, #tpu.memory_space<vmem>>
    %dma_wait3A_104 = arith.constant 8 : i32
    %dma_wait3A_105 = arith.constant 0 : i32
    %dma_wait3A_106 = tpu.memref_slice %dma_wait3A_103[%dma_wait3A_104, %dma_wait3A_105] : memref<16x1024xf32, #tpu.memory_space<vmem>> -> memref<8x1024xf32, #tpu.memory_space<vmem>>
    tpu.wait_dma2 semaphore(%arg12 : memref<!tpu.dma_semaphore, #tpu.memory_space<semaphore_mem>>) src(%dma_wait3A_106 : memref<8x1024xf32, #tpu.memory_space<vmem>>) dst(%dma_wait3A_99 : memref<8x1024xf32, #tpu.memory_space<hbm>>)
    %add3A_107 = arith.constant 2032 : i32
    %add3A_108 = arith.addi %mul3A_2, %add3A_107 : i32
    %add3A_109 = arith.constant 0 : i32
    %add3A_110 = arith.addi %add3A_108, %add3A_109 : i32
    %dma_wait3A_111 = arith.constant 1 : i32
    %dma_wait3A_112 = arith.constant 0 : i32
    %dma_wait3A_113 = arith.constant 0 : i32
    %dma_wait3A_114 = tpu.memref_slice %arg9[%dma_wait3A_111, %dma_wait3A_112, %dma_wait3A_113] : memref<2x16x1024xf32, #tpu.memory_space<vmem>> -> memref<1x16x1024xf32, #tpu.memory_space<vmem>>
    %dma_wait3A_115 = tpu.memref_squeeze %dma_wait3A_114 : memref<1x16x1024xf32, #tpu.memory_space<vmem>> -> memref<16x1024xf32, #tpu.memory_space<vmem>>
    %dma_wait3A_116 = arith.constant 0 : i32
    %dma_wait3A_117 = arith.constant 0 : i32
    %dma_wait3A_118 = tpu.memref_slice %dma_wait3A_115[%dma_wait3A_116, %dma_wait3A_117] : memref<16x1024xf32, #tpu.memory_space<vmem>> -> memref<8x1024xf32, #tpu.memory_space<vmem>>
    %dma_wait3A_119 = arith.constant 0 : i32
    %dma_wait3A_120 = tpu.memref_slice %arg5[%add3A_110, %dma_wait3A_119] : memref<65536x1024xf32, #tpu.memory_space<hbm>> -> memref<8x1024xf32, #tpu.memory_space<hbm>>
    %dma_wait3A_121 = arith.constant 0 : i32
    %dma_wait3A_122 = tpu.memref_slice %arg5[%add3A_110, %dma_wait3A_121] : memref<65536x1024xf32, #tpu.memory_space<hbm>> -> memref<8x1024xf32, #tpu.memory_space<hbm>>
    %dma_wait3A_123 = arith.constant 0 : i32
    %dma_wait3A_124 = arith.constant 0 : i32
    %dma_wait3A_125 = tpu.memref_slice %arg9[%dma_wait3A_111, %dma_wait3A_123, %dma_wait3A_124] : memref<2x16x1024xf32, #tpu.memory_space<vmem>> -> memref<1x16x1024xf32, #tpu.memory_space<vmem>>
    %dma_wait3A_126 = tpu.memref_squeeze %dma_wait3A_125 : memref<1x16x1024xf32, #tpu.memory_space<vmem>> -> memref<16x1024xf32, #tpu.memory_space<vmem>>
    %dma_wait3A_127 = arith.constant 0 : i32
    %dma_wait3A_128 = arith.constant 0 : i32
    %dma_wait3A_129 = tpu.memref_slice %dma_wait3A_126[%dma_wait3A_127, %dma_wait3A_128] : memref<16x1024xf32, #tpu.memory_space<vmem>> -> memref<8x1024xf32, #tpu.memory_space<vmem>>
    tpu.wait_dma2 semaphore(%arg13 : memref<!tpu.dma_semaphore, #tpu.memory_space<semaphore_mem>>) src(%dma_wait3A_129 : memref<8x1024xf32, #tpu.memory_space<vmem>>) dst(%dma_wait3A_122 : memref<8x1024xf32, #tpu.memory_space<hbm>>)
    %add3A_130 = arith.constant 8 : i32
    %add3A_131 = arith.addi %add3A_108, %add3A_130 : i32
    %dma_wait3A_132 = arith.constant 1 : i32
    %dma_wait3A_133 = arith.constant 0 : i32
    %dma_wait3A_134 = arith.constant 0 : i32
    %dma_wait3A_135 = tpu.memref_slice %arg9[%dma_wait3A_132, %dma_wait3A_133, %dma_wait3A_134] : memref<2x16x1024xf32, #tpu.memory_space<vmem>> -> memref<1x16x1024xf32, #tpu.memory_space<vmem>>
    %dma_wait3A_136 = tpu.memref_squeeze %dma_wait3A_135 : memref<1x16x1024xf32, #tpu.memory_space<vmem>> -> memref<16x1024xf32, #tpu.memory_space<vmem>>
    %dma_wait3A_137 = arith.constant 8 : i32
    %dma_wait3A_138 = arith.constant 0 : i32
    %dma_wait3A_139 = tpu.memref_slice %dma_wait3A_136[%dma_wait3A_137, %dma_wait3A_138] : memref<16x1024xf32, #tpu.memory_space<vmem>> -> memref<8x1024xf32, #tpu.memory_space<vmem>>
    %dma_wait3A_140 = arith.constant 0 : i32
    %dma_wait3A_141 = tpu.memref_slice %arg5[%add3A_131, %dma_wait3A_140] : memref<65536x1024xf32, #tpu.memory_space<hbm>> -> memref<8x1024xf32, #tpu.memory_space<hbm>>
    %dma_wait3A_142 = arith.constant 0 : i32
    %dma_wait3A_143 = tpu.memref_slice %arg5[%add3A_131, %dma_wait3A_142] : memref<65536x1024xf32, #tpu.memory_space<hbm>> -> memref<8x1024xf32, #tpu.memory_space<hbm>>
    %dma_wait3A_144 = arith.constant 0 : i32
    %dma_wait3A_145 = arith.constant 0 : i32
    %dma_wait3A_146 = tpu.memref_slice %arg9[%dma_wait3A_132, %dma_wait3A_144, %dma_wait3A_145] : memref<2x16x1024xf32, #tpu.memory_space<vmem>> -> memref<1x16x1024xf32, #tpu.memory_space<vmem>>
    %dma_wait3A_147 = tpu.memref_squeeze %dma_wait3A_146 : memref<1x16x1024xf32, #tpu.memory_space<vmem>> -> memref<16x1024xf32, #tpu.memory_space<vmem>>
    %dma_wait3A_148 = arith.constant 8 : i32
    %dma_wait3A_149 = arith.constant 0 : i32
    %dma_wait3A_150 = tpu.memref_slice %dma_wait3A_147[%dma_wait3A_148, %dma_wait3A_149] : memref<16x1024xf32, #tpu.memory_space<vmem>> -> memref<8x1024xf32, #tpu.memory_space<vmem>>
    tpu.wait_dma2 semaphore(%arg13 : memref<!tpu.dma_semaphore, #tpu.memory_space<semaphore_mem>>) src(%dma_wait3A_150 : memref<8x1024xf32, #tpu.memory_space<vmem>>) dst(%dma_wait3A_143 : memref<8x1024xf32, #tpu.memory_space<hbm>>)
    return
  }
}

</mosaic_0001>

<sc_bundles>
// kernel: kernel.3.cloned.1.call-start
scs
__scs_entry_jumppad:
0x0: {  	(pc) =	sbr.rel $0x88, $3  }
0x1: {  	(tag) =	ssettag $0x0;
	lr =	simm.s32 $0x1  }
0x2: {  	[smem:$0x3F9E] =	sst lr;
	_ =	strace $0xD0000000  }
0x3: {  	_ = 	snop  }
0x4: {  	_ = 	snop  }
0x5: {  	_ = 	snop  }
0x6: {  	_ = 	snop  }
0x7: {  	_ = 	snop  }
__scs_overlays_trampoline_lowered:
0x8: {  	[smem:$0x3FAD] =	sst s0  }
0x9: {  	[smem:$0x3FAE] =	sst s1  }
0xa: {  	[smem:$0x3FAF] =	sst s2  }
0xb: {  	[smem:$0x3FB0] =	sst s3  }
0xc: {  	[smem:$0x3FB1] =	sst s4  }
0xd: {  	[smem:$0x3FB2] =	sst s5  }
0xe: {  	[smem:$0x3FB3] =	sst s6  }
0xf: {  	[smem:$0x3FB4] =	sst s7  }
0x10: {  	[smem:$0x3FB5] =	sst s8  }
0x11: {  	[smem:$0x3FB6] =	sst s9;
	s0 =	simm.s32 @!p0 $0x0  }
0x12: {  	s1 =	sld [smem:$0x3F9C];
	s0 =	simm.s32 @p0 $0x1  }
0x13: {  	[smem:$0x3FB7] =	sst s0;
	s0 =	simm.s32 @!p1 $0x0  }
0x14: {  	s2 =	sld [smem:$0x3F9B];
	s0 =	simm.s32 @p1 $0x1  }
0x15: {  	[smem:$0x3FB8] =	sst s0;
	s0 =	simm.s32 @!p2 $0x0  }
0x16: {  	s3 =	sld [smem:$0x3FDB];
	s0 =	simm.s32 @p2 $0x1  }
0x17: {  	s4 =	simm.s32 $0x1BF5;
	[smem:$0x3FBA] =	sst s0  }
0x18: {  	s0 =	sld [smem:$0x3F9D];
	_ =	swait.ge [sflag:s4], $0x0  }
0x19: {  	s7 =	sld [smem:$0x3F9E]  }
0x1a: {  	s8 =	sadd.s32 $0xFFFFE003, lr  }
0x1b: {  	s9 =	sadd.s32 $0xFFFFFEF7, lr;
	s5 =	simm.s32 $0xFFFFFFFF;
	p2 =	slt.u32 s8, $0xFFFFF086  }
0x1c: {  	p1 =	slt.u32 s9, $0xF7A;
	s5 =	simm.s32 @!p2 $0x0  }
0x1d: {  	s5 =	simm.s32 @p1 $0x1;
	p0 =	seq.s32 s7, s2  }
0x1e: {  	s7 =	smul.u32 @!p0 $0xF7A, s2;
	p2 =	seq.s32 @!p0 s5, $0x0  }
0x1f: {  	s9 =	smul.u32 $0xF7A, s1;
	s8 =	simm.s32 @!p0 $0x1BF5;
	p2 =	por !p2, p0  }
0x20: {  	[sflag:s8] =	ssyncset.s32 @!p0 $0xFFFFF086;
	s6 =	sadd.s32 @!p0 s3, s7;
	s7 =	simm.s32 @!p0 $0x108  }
0x21: {  	s3 =	sadd.s32 s3, s9;
	s6 =	sadd.s32 @!p0 $0x88, s6;
	s7 =	simm.s32 @p2 $0x1082  }
0x22: {  	[simem:s7], [sflag:s8] =	dma.local @!p0 [hbm:s6], $0xF7A  }
0x23: {  	s9 =	sor.u32 $0xD0000000, s2;
	s6 =	simm.s32 $0x108;
	_ =	swait.ge @!p0 [sflag:s8], $0x0  }
0x24: {  	s3 =	sadd.s32 $0x88, s3;
	s6 =	simm.s32 @!p1 $0x1082;
	[sflag:s4] =	ssyncset.s32 $0xFFFFF086  }
0x25: {  	[simem:s6], [sflag:s4] =	dma.local [hbm:s3], $0xF7A  }
0x26: {  	[smem:$0x3F9E] =	sst s1;
	(tag) =	ssettag s2;
	_ =	strace s9  }
0x27: {  	s1 =	sld [smem:$0x3FAE]  }
0x28: {  	s2 =	sld [smem:$0x3FAF]  }
0x29: {  	s4 =	sld [smem:$0x3FB1]  }
0x2a: {  	p0 =	seq.s32 s5, $0x0;
	s5 =	sld [smem:$0x3FB2]  }
0x2b: {  	s6 =	sld [smem:$0x3FB3]  }
0x2c: {  	s7 =	sld [smem:$0x3FB4]  }
0x2d: {  	s3 =	simm.s32 $0x108;
	s8 =	sld [smem:$0x3FB5]  }
0x2e: {  	s3 =	simm.s32 @!p0 $0x1082;
	s9 =	sld [smem:$0x3FB6]  }
0x2f: {  	lr =	sadd.s32 s0, s3;
	s0 =	sld [smem:$0x3FAD]  }
0x30: {  	s3 =	sld [smem:$0x3FB0]  }
0x31: {  	[smem:$0x3FB9] =	sst s10  }
0x32: {  	s10 =	sld [smem:$0x3FB7];
	_ =	sdelay $0x3  }
0x33: {  	p0 =	seq.s32 s10, $0x1;
	s10 =	sld [smem:$0x3FB9];
	_ =	sdelay $0x3  }
0x34: {  	[smem:$0x3FB9] =	sst s10  }
0x35: {  	s10 =	sld [smem:$0x3FB8];
	_ =	sdelay $0x3  }
0x36: {  	p1 =	seq.s32 s10, $0x1;
	s10 =	sld [smem:$0x3FB9];
	_ =	sdelay $0x3  }
0x37: {  	[smem:$0x3FB9] =	sst s10  }
0x38: {  	s10 =	sld [smem:$0x3FBA]  }
0x39: {  	_ = 	snop;
	(pc) =	sbr.ind lr, $3  }
0x3a: {  	_ = 	snop  }
0x3b: {  	_ = 	snop  }
0x3c: {  	p2 =	seq.s32 s10, $0x1;
	s10 =	sld [smem:$0x3FB9]  }
0x3d: {  	_ =	shalt  }
0x3e: {  	_ =	shalt  }
0x3f: {  	_ =	shalt  }
0x40: {  	_ =	shalt  }
0x41: {  	_ =	shalt  }
0x42: {  	_ =	shalt  }
0x43: {  	_ =	shalt  }
0x44: {  	_ =	shalt  }
0x45: {  	_ =	shalt  }
0x46: {  	_ =	shalt  }
0x47: {  	_ =	shalt  }
0x48: {  	_ =	shalt  }
0x49: {  	_ =	shalt  }
0x4a: {  	_ =	shalt  }
0x4b: {  	_ =	shalt  }
0x4c: {  	_ =	shalt  }
0x4d: {  	_ =	shalt  }
0x4e: {  	_ =	shalt  }
0x4f: {  	_ =	shalt  }
0x50: {  	_ =	shalt  }
0x51: {  	_ =	shalt  }
0x52: {  	_ =	shalt  }
0x53: {  	_ =	shalt  }
0x54: {  	_ =	shalt  }
0x55: {  	_ =	shalt  }
0x56: {  	_ =	shalt  }
0x57: {  	_ =	shalt  }
0x58: {  	_ =	shalt  }
0x59: {  	_ =	shalt  }
0x5a: {  	_ =	shalt  }
0x5b: {  	_ =	shalt  }
0x5c: {  	_ =	shalt  }
0x5d: {  	_ =	shalt  }
0x5e: {  	_ =	shalt  }
0x5f: {  	_ =	shalt  }
0x60: {  	_ =	shalt  }
0x61: {  	_ =	shalt  }
0x62: {  	_ =	shalt  }
0x63: {  	_ =	shalt  }
0x64: {  	_ =	shalt  }
0x65: {  	_ =	shalt  }
0x66: {  	_ =	shalt  }
0x67: {  	_ =	shalt  }
0x68: {  	_ =	shalt  }
0x69: {  	_ =	shalt  }
0x6a: {  	_ =	shalt  }
0x6b: {  	_ =	shalt  }
0x6c: {  	_ =	shalt  }
0x6d: {  	_ =	shalt  }
0x6e: {  	_ =	shalt  }
0x6f: {  	_ =	shalt  }
0x70: {  	_ =	shalt  }
0x71: {  	_ =	shalt  }
0x72: {  	_ =	shalt  }
0x73: {  	_ =	shalt  }
0x74: {  	_ =	shalt  }
0x75: {  	_ =	shalt  }
0x76: {  	_ =	shalt  }
0x77: {  	_ =	shalt  }
0x78: {  	_ =	shalt  }
0x79: {  	_ =	shalt  }
0x7a: {  	_ =	shalt  }
0x7b: {  	_ =	shalt  }
0x7c: {  	_ =	shalt  }
0x7d: {  	_ =	shalt  }
0x7e: {  	_ =	shalt  }
0x7f: {  	_ =	shalt  }
0x80: {  	_ =	shalt  }
0x81: {  	_ =	shalt  }
0x82: {  	_ =	shalt  }
0x83: {  	_ =	shalt  }
0x84: {  	_ =	shalt  }
0x85: {  	_ =	shalt  }
0x86: {  	_ =	shalt  }
0x87: {  	_ =	shalt  }
.Lfunc_end0:
.L_simem_size_0:
called_computation_lowered:
.L_overlay_start_0:
0x88: {  	s2 =	sld [smem:$0x3FD9]  }
0x89: {  	s3 =	sld [smem:$0x3FFE];
	_ =	sdelay $0x1  }
0x8a: {  	s1 =	srdreg.scid  }
0x8b: {  	s0 =	sand.u32 $0x1, s1  }
0x8c: {  	s18 =	sshll.u32 s0, $0xA;
	s2 =	sadd.s32 s3, s2  }
0x8d: {  	s2 =	sadd.s32 s2, s18  }
0x8e: {  	[smem:$0x3FC5] =	sst s2  }
0x8f: {  	_ = 	snop  }
0x90: {  	s2 =	sld [smem:$0x3FC9]  }
0x91: {  	s19 =	sld [smem:$0x3FC8]  }
0x92: {  	s4 =	sld [smem:$0x3FC7]  }
0x93: {  	s5 =	sld [smem:$0x3FD0];
	(tm) =	ssettm $0x1  }
0x94: {  	s6 =	sld [smem:$0x3FFB];
	_ =	sdelay $0x3  }
0x95: {  	_ =	strace s6  }
0x96: {  	s6 =	sld [smem:$0x3FFC];
	_ =	sdelay $0x3  }
0x97: {  	_ =	strace s6  }
0x98: {  	s6 =	sld [smem:$0x3FFD];
	_ =	sdelay $0x3  }
0x99: {  	_ =	strace s6  }
0x9a: {  	_ =	strace $0x8FFFFFFF  }
0x9b: {  	s20 =	sld [smem:$0x3FDB];
	_ =	sdelay $0x1  }
0x9c: {  	s7 =	simm.s32 $_scs_section_size  }
0x9d: {  	s8 =	simm.s32 $_size__tile_overlayer_lowered;
	s9 =	simm.s32 $_tile_overlayer_lowered  }
0x9e: {  	s23 =	simm.s32 $0x1BFF;
	s22 =	sshll.u32 s9, $0x1;
	s6 =	sadd.s32 s7, s20  }
0x9f: {  	s10 =	simm.s32 $0x0;
	s21 =	sshll.u32 s8, $0x1;
	s8 =	sadd.s32 s22, s6  }
0xa0: {  	[timem:s10], [sflag:s23] =	dma.local [hbm:s8], s21  }
0xa1: {  	_ =	swait.ge [sflag:s23], s21  }
0xa2: {  	s7 =	ssub.s32 $0x0, s21;
	[sflag:s23] =	ssyncset.done $0x0  }
0xa3: {  	[sflag:s23] =	ssyncadd.s32 s7;
	_ =	sdelay $0x1  }
0xa4: {  	s24 =	simm.s32 $0x1B8B  }
0xa5: {  	_ =	swait.ge [sflag:s24], $0x1  }
0xa6: {  	[sflag:s24] =	ssyncset.done $0x0  }
0xa7: {  	s25 =	simm.s32 $0x1B8E;
	[sflag:s24] =	ssyncadd.s32 $0xFFFFFFFF  }
0xa8: {  	s26 =	simm.s32 $execute0_lowered;
	[smem:$0x3FD2] =	sst s25  }
0xa9: {  	s7 =	sshll.u32 s26, $0x1;
	_ =	strace $0x80000046;
	[dreg:$0x1] =	wrdreg $0xFFFFFFFF  }
0xaa: {  	s28 =	simm.s32 $_size_execute0_lowered;
	s6 =	sadd.s32 s6, s7;
	[dreg:$0x0] =	wrdreg $0x0  }
0xab: {  	s7 =	sshll.u32 s28, $0x1;
	[dreg:$0x2] =	wrdreg s6  }
0xac: {  	[dreg:$0x3] =	wrdreg s7  }
0xad: {  	[dreg:$0x4] =	wrdreg $0xC0  }
0xae: {  	_ =	task [dreg:s10], $0x5FFFF  }
0xaf: {  	[dreg:$0x1] =	wrdreg $0xFFFFFFFF  }
0xb0: {  	[dreg:$0x0] =	wrdreg $0x60  }
0xb1: {  	[dreg:$0x2] =	wrdreg s2  }
0xb2: {  	[dreg:$0x3] =	wrdreg s19  }
0xb3: {  	[dreg:$0x4] =	wrdreg s4  }
0xb4: {  	[dreg:$0x5] =	wrdreg s5  }
0xb5: {  	[dreg:$0x6] =	wrdreg $0x9  }
0xb6: {  	_ =	task.clear_ibuf [dreg:s10], $0x7FFFF;
	_ =	strace $0x90000046  }
0xb7: {  	s29 =	simm.s32 $0x9;
	_ =	strace $0x80000048  }
0xb8: {  	_ =	swait.ge [sflag:s29], $0x1  }
0xb9: {  	[sflag:s29] =	ssyncadd.s32 $0xFFFFFFFF  }
0xba: {  	_ =	strace $0x90000048  }
0xbb: {  	_ =	sfence  }
0xbc: {  	s30 =	sld [smem:$0x0];
	_ =	sdelay $0x2  }
0xbd: {  	s31 =	sshll.u32 s1, $0xD;
	s1 =	sshrl.u32 s1, $0x2  }
0xbe: {  	s3 =	sand.u32 $0x4000, s31;
	s1 =	sadd.s32 s1, s30  }
0xbf: {  	s0 =	sor.u32 s3, s0;
	s1 =	sshll.u32 s1, $0x11  }
0xc0: {  	s0 =	sor.u32 s1, s0  }
0xc1: {  	s0 =	sadd.s32 $0x8F2B, s0  }
0xc2: {  	[sflag:s0] =	ssyncadd.remote.s32 $0x1  }
0xc3: {  	_ =	sfence.sel $0xFFFF  }
0xc4: {  	[dreg:$0x0] =	wrdreg $0xFFFFFFFF;
	(pc) =	sbr.abs _section_cstart, $3  }
0xc5: {  	[dreg:$0x1] =	wrdreg $0xFFFFFFFF  }
0xc6: {  	_ =	task.clear_ibuf [dreg:s10], $0x2FFFF;
	_ =	strace $0x9FFFFFFF  }
0xc7: {  	(tm) =	ssettm $0x7FFFFFFF  }
tec
execute0_lowered:
.L_overlay_start_1:
0x0: {  	(tag) =	ssettag $0x1  }
0x1: {  	s10 =	rddreg [dreg:$0x0]  }
0x2: {  	s3 =	rddreg [dreg:$0x2]  }
0x3: {  	s5 =	rddreg [dreg:$0x3];
	s0 =	srdreg.scid  }
0x4: {  	s6 =	simm.s32 $0x0;
	s2 =	stileid.u32;
	s31 =	simm.s32 $0x6080  }
0x5: {  	s17 =	simm.s32 $0xC080;
	s18 =	simm.s32 $0x1;
	s19 =	simm.s32 $0x10080  }
0x6: {  	s20 =	simm.s32 $0x12080;
	s21 =	simm.s32 $0x2;
	s22 =	simm.s32 $0x14080  }
0x7: {  	s23 =	simm.s32 $0x16080;
	s12 =	simm.s32 $0x0;
	s0 =	sand.u32 $0x1, s0  }
0x8: {  	s2 =	sshll.u32 s2, $0xB;
	[smem:$0x7FF] =	sst s6;
	s8 =	sadd.s32 $0x100, s3  }
0x9: {  	s9 =	sadd.s32 $0x200, s3;
	s1 =	ssub.s32 $0x2, s0;
	s0 =	sshll.u32 s0, $0xF  }
0xa: {  	s11 =	sadd.s32 $0x300, s3;
	s13 =	sadd.s32 $0x400, s5;
	s7 =	sor.u32 s2, s0  }
.Ltmp0:
0xb: {  	s4 =	sshrl.u32 s1, $0x1;
	s30 =	sshll.u32 s7, $0x7;
	(pc) =	sbr.rel .LBB2_1-.Ltmp0, $4  }
0xc: {  	s14 =	sadd.s32 $0x1000, s10;
	s29 =	ssub.s32 s1, s4;
	s1 =	sadd.s32 s10, s30  }
0xd: {  	v3 =	vlaneseq.u32;
	_ =	strace $0x80000047;
	s0 =	smax.u32 s29, $0x1;
	[dreg:$0x5] =	wrdreg s1  }
0xe: {  	vm0 =	vmmov $0xffff;
	v1 =	vand.u32 $0x7, v3;
	v2 =	vshrl.u32 v3, $0x3;
	s2 =	simm.s32 $0x7880;
	s1 =	sadd.s32 $0x800, s1;
	[dreg:$0x7] =	wrdreg s0  }
0xf: {  	v3 =	vor.u32 $0x8, v3;
	v2 =	vmul.u32 $0x8, v2;
	s4 =	simm.s32 $0x7080;
	v0 =	vmov s7;
	s0 =	simm.s32 $0x6880;
	[dreg:$0x6] =	wrdreg s1  }
.LBB2_12:
0x10: {  	s1 =	simm.s32 $0x3  }
0x11: {  	_ =	swait.ge [sflag:s1], $0x2000  }
0x12: {  	[sflag:s1] =	ssyncset.done $0x0  }
0x13: {  	[sflag:s1] =	ssyncadd.s32 $0xFFFFE000  }
0x14: {  	_ =	swait.ge [sflag:s1], $0x2000  }
0x15: {  	[sflag:s1] =	ssyncset.done $0x0  }
0x16: {  	s10 =	simm.s32 $0x4;
	[sflag:s1] =	ssyncadd.s32 $0xFFFFE000  }
0x17: {  	_ =	swait.ge [sflag:s10], $0x2000  }
0x18: {  	[sflag:s10] =	ssyncset.done $0x0  }
0x19: {  	[sflag:s10] =	ssyncadd.s32 $0xFFFFE000  }
0x1a: {  	_ =	swait.ge [sflag:s10], $0x2000  }
0x1b: {  	s12 =	rddreg [dreg:$0x8]  }
0x1c: {  	s30 =	rddreg [dreg:$0x7];
	s12 =	sadd.s32 $0x1, s12  }
0x1d: {  	p0 =	sne.s32 s12, s30  }
.Ltmp1:
0x1e: {  	_ = 	snop;
	(pc) =	sbr.rel @!p0 .LBB2_13-.Ltmp1, $3  }
0x1f: {  	_ =	sdelay $0x1  }
0x20: {  	[sflag:s10] =	ssyncset.done $0x0  }
0x21: {  	[sflag:s10] =	ssyncadd.s32 $0xFFFFE000  }
.LBB2_1:
0x22: {  	[dreg:$0x8] =	wrdreg s12  }
0x23: {  	s1 =	rddreg [dreg:$0x1];
	s25 =	simm.s32 $0x5  }
0x24: {  	[tilespmem:s6], [sflag:$0x5] =	stream.linear.gather [hbm4b:s1+s6], $0x80, $0x38;
	[tilespmem:$0x18080] =	vst v63  }
0x25: {  	_ =	swait.ge [sflag:s25], $0x80  }
0x26: {  	[sflag:s25] =	ssyncset.done $0x0  }
0x27: {  	[sflag:s25] =	ssyncadd.s32 $0xFFFFFF80  }
0x28: {  	v4 =	vld [tilespmem:$0x0];
	_ =	sdelay $0x4  }
0x29: {  	v5 =	vadd.s32 v0, v4  }
0x2a: {  	v5 =	vshll.u32 v5, $0x3  }
0x2b: {  	v6 =	vand.u32 $0x7, v4;
	v5 =	vand.u32 $0xFFFFFFC0, v5  }
0x2c: {  	v6 =	vor.u32 v6, v5  }
0x2d: {  	v5 =	vperm.xlane v6, v1;
	_ =	sdelay $0x1  }
0x2e: {  	v7 =	vadd.s32 v2, v5;
	_ =	sdelay $0x3  }
0x2f: {  	s26 =	simm.s32 $0x80  }
0x30: {  	v5 =	vld [tilespmem:$0x10];
	[tilespmem:s26], [sflag:$0x1] =	stream.indirect_vreg.gather [hbm4b:s3+s6], $0x80, v7, vm0, $0xb8  }
0x31: {  	s28 =	simm.s32 $0x880;
	v6 =	vperm.xlane v6, v3  }
0x32: {  	[tilespmem:s28], [sflag:$0x1] =	stream.indirect_vreg.gather [hbm4b:s8+s6], $0x80, v7, vm0, $0xb8;
	[tilespmem:$0x18080] =	vst v63  }
0x33: {  	s29 =	simm.s32 $0x1080;
	v6 =	vadd.s32 v2, v6  }
0x34: {  	[tilespmem:s29], [sflag:$0x1] =	stream.indirect_vreg.gather [hbm4b:s9+s6], $0x80, v7, vm0, $0xb8;
	[tilespmem:$0x18080] =	vst v63  }
0x35: {  	s30 =	simm.s32 $0x1880  }
0x36: {  	[tilespmem:s30], [sflag:$0x1] =	stream.indirect_vreg.gather [hbm4b:s11+s6], $0x80, v7, vm0, $0xb8;
	[tilespmem:$0x18080] =	vst v63  }
0x37: {  	s10 =	simm.s32 $0x2080;
	v7 =	vadd.s32 v0, v5  }
0x38: {  	v7 =	vshll.u32 v7, $0x3;
	[tilespmem:s10], [sflag:$0x1] =	stream.indirect_vreg.gather [hbm4b:s3+s6], $0x80, v6, vm0, $0xb8;
	[tilespmem:$0x18080] =	vst v63  }
0x39: {  	s12 =	simm.s32 $0x2880;
	v8 =	vand.u32 $0x7, v5;
	v7 =	vand.u32 $0xFFFFFFC0, v7  }
0x3a: {  	v7 =	vor.u32 v8, v7;
	[tilespmem:s12], [sflag:$0x1] =	stream.indirect_vreg.gather [hbm4b:s8+s6], $0x80, v6, vm0, $0xb8;
	[tilespmem:$0x18080] =	vst v63  }
0x3b: {  	s15 =	simm.s32 $0x3080;
	v8 =	vperm.xlane v7, v1  }
0x3c: {  	[tilespmem:s15], [sflag:$0x1] =	stream.indirect_vreg.gather [hbm4b:s9+s6], $0x80, v6, vm0, $0xb8;
	[tilespmem:$0x18080] =	vst v63  }
0x3d: {  	s16 =	simm.s32 $0x3880;
	v8 =	vadd.s32 v2, v8  }
0x3e: {  	[tilespmem:s16], [sflag:$0x1] =	stream.indirect_vreg.gather [hbm4b:s11+s6], $0x80, v6, vm0, $0xb8;
	[tilespmem:$0x18080] =	vst v63  }
0x3f: {  	s24 =	rddreg [dreg:$0x5];
	s10 =	simm.s32 $0x8080  }
0x40: {  	[tilespmem:s10], [sflag:$0x1] =	stream.linear.gather [hbm4b:s24+s6], $0x4000, $0x38;
	[tilespmem:$0x18080] =	vst v63  }
0x41: {  	s25 =	simm.s32 $0x4080  }
0x42: {  	[tilespmem:s25], [sflag:$0x2] =	stream.indirect_vreg.gather [hbm4b:s3+s6], $0x80, v8, vm0, $0xb8;
	[tilespmem:$0x18080] =	vst v63  }
0x43: {  	s26 =	simm.s32 $0x4880;
	v6 =	vperm.xlane v7, v3  }
0x44: {  	[tilespmem:s26], [sflag:$0x2] =	stream.indirect_vreg.gather [hbm4b:s8+s6], $0x80, v8, vm0, $0xb8;
	[tilespmem:$0x18080] =	vst v63  }
0x45: {  	s28 =	simm.s32 $0x5080;
	v6 =	vadd.s32 v2, v6  }
0x46: {  	[tilespmem:s28], [sflag:$0x2] =	stream.indirect_vreg.gather [hbm4b:s9+s6], $0x80, v8, vm0, $0xb8;
	[tilespmem:$0x18080] =	vst v63  }
0x47: {  	s29 =	simm.s32 $0x5880  }
0x48: {  	[tilespmem:s29], [sflag:$0x2] =	stream.indirect_vreg.gather [hbm4b:s11+s6], $0x80, v8, vm0, $0xb8;
	[tilespmem:$0x18080] =	vst v63  }
0x49: {  	_ = 	snop  }
0x4a: {  	[tilespmem:s31], [sflag:$0x2] =	stream.indirect_vreg.gather [hbm4b:s3+s6], $0x80, v6, vm0, $0xb8;
	[tilespmem:$0x18080] =	vst v63  }
0x4b: {  	_ = 	snop  }
0x4c: {  	[tilespmem:s0], [sflag:$0x2] =	stream.indirect_vreg.gather [hbm4b:s8+s6], $0x80, v6, vm0, $0xb8;
	[tilespmem:$0x18080] =	vst v63  }
0x4d: {  	_ = 	snop  }
0x4e: {  	[tilespmem:s4], [sflag:$0x2] =	stream.indirect_vreg.gather [hbm4b:s9+s6], $0x80, v6, vm0, $0xb8;
	[tilespmem:$0x18080] =	vst v63  }
0x4f: {  	_ = 	snop  }
0x50: {  	[tilespmem:s2], [sflag:$0x2] =	stream.indirect_vreg.gather [hbm4b:s11+s6], $0x80, v6, vm0, $0xb8;
	[tilespmem:$0x18080] =	vst v63  }
0x51: {  	s30 =	rddreg [dreg:$0x6];
	s15 =	simm.s32 $0x0  }
0x52: {  	[tilespmem:s17], [sflag:$0x2] =	stream.linear.gather [hbm4b:s30+s6], $0x4000, $0x38;
	[tilespmem:$0x18080] =	vst v63  }
.LBB2_2:
0x53: {  	_ =	swait.ge [sflag:s18], $0x4000  }
0x54: {  	[sflag:s18] =	ssyncset.done $0x0  }
0x55: {  	[sflag:s18] =	ssyncadd.s32 $0xFFFFC000  }
0x56: {  	_ =	swait.ge [sflag:s18], $0x4000  }
0x57: {  	p0 =	seq.s32 s15, $0x0;
	[sflag:s18] =	ssyncset.done $0x0  }
0x58: {  	s1 =	simm.s32 @!p0 $0x3;
	[sflag:s18] =	ssyncadd.s32 $0xFFFFC000  }
0x59: {  	_ =	swait.ge @!p0 [sflag:s1], $0x2000  }
0x5a: {  	[sflag:s1] =	ssyncset.done @!p0 $0x0  }
0x5b: {  	[sflag:s1] =	ssyncadd.s32 @!p0 $0xFFFFE000  }
0x5c: {  	s25 =	simm.s32 $0x0;
	_ =	swait.ge @!p0 [sflag:s1], $0x2000  }
0x5d: {  	s10 =	sand.u32 $0x70, s25;
	s12 =	sand.u32 $0x1C00, s25;
	[sflag:s1] =	ssyncset.done @!p0 $0x0  }
0x5e: {  	s16 =	sor.u32 s10, s12;
	[sflag:s1] =	ssyncadd.s32 @!p0 $0xFFFFE000  }
0x5f: {  	v8 =	vld [tilespmem:s16+$0x8380]  }
0x60: {  	v6 =	vld [tilespmem:s16+$0x8280]  }
0x61: {  	v7 =	vld [tilespmem:s16+$0x200]  }
0x62: {  	v9 =	vld [tilespmem:s16+$0x180]  }
0x63: {  	v10 =	vld [tilespmem:s16+$0x8180]  }
0x64: {  	s30 =	sshll.u32 s15, $0x5;
	v12 =	vld [tilespmem:s16+$0x8100]  }
0x65: {  	s24 =	sor.u32 s25, s25;
	s10 =	sor.u32 s7, s30;
	s12 =	simm.s32 $0x10;
	v11 =	vld [tilespmem:s16+$0x8080]  }
.LBB2_3:
0x66: {  	p1 =	sne.s32 s12, $0x3F0  }
0x67: {  	v13 =	vld [tilespmem:s16+$0x100];
	s25 =	sadd.s32 $0x80, s25;
	s1 =	smov.u32 s12;
	s12 =	sadd.s32 $0x10, s12  }
0x68: {  	s26 =	sor.u32 s25, s1;
	v14 =	vld [tilespmem:s16+$0x80]  }
0x69: {  	v15 =	vld [tilespmem:s16+$0x380]  }
0x6a: {  	v16 =	vld [tilespmem:s16+$0x280]  }
0x6b: {  	v17 =	vld [tilespmem:s16+$0x8200]  }
0x6c: {  	v12 =	vadd.f32 v12, v13;
	v13 =	vld [tilespmem:s16+$0x8300]  }
0x6d: {  	v9 =	vadd.f32 v10, v9;
	v11 =	vadd.f32 v11, v14;
	v10 =	vld [tilespmem:s16+$0x300]  }
0x6e: {  	[tilespmem:s16+$0x10100] =	vst v12;
	v8 =	vadd.f32 v8, v15  }
0x6f: {  	[tilespmem:s16+$0x10180] =	vst v9;
	v6 =	vadd.f32 v6, v16  }
0x70: {  	[tilespmem:s16+$0x10080] =	vst v11;
	v7 =	vadd.f32 v17, v7  }
0x71: {  	[tilespmem:s16+$0x10380] =	vst v8  }
0x72: {  	[tilespmem:s16+$0x10200] =	vst v7;
	v7 =	vadd.f32 v13, v10  }
0x73: {  	[tilespmem:s16+$0x10280] =	vst v6  }
0x74: {  	s29 =	sor.u32 $0x380, s24;
	s1 =	sand.u32 $0x70, s1;
	s28 =	sand.u32 $0x1C00, s25;
	[tilespmem:s16+$0x10300] =	vst v7  }
0x75: {  	s24 =	smov.u32 s26;
	s16 =	sor.u32 s1, s28;
	v6 =	vld [tilespmem:s29+$0x80]  }
0x76: {  	v7 =	vld [tilespmem:s29+$0x8080];
	_ =	sdelay $0x4  }
0x77: {  	v6 =	vadd.f32 v7, v6;
	_ =	sdelay $0x1  }
0x78: {  	[tilespmem:s29+$0x10080] =	vst v6  }
0x79: {  	v8 =	vld [tilespmem:s16+$0x8380]  }
0x7a: {  	v6 =	vld [tilespmem:s16+$0x8280]  }
.Ltmp2:
0x7b: {  	v7 =	vld [tilespmem:s16+$0x200];
	(pc) =	sbr.rel @p1 .LBB2_3-.Ltmp2, $4  }
0x7c: {  	v9 =	vld [tilespmem:s16+$0x180]  }
0x7d: {  	v10 =	vld [tilespmem:s16+$0x8180]  }
0x7e: {  	v12 =	vld [tilespmem:s16+$0x8100]  }
0x7f: {  	v11 =	vld [tilespmem:s16+$0x8080]  }
0x80: {  	v13 =	vld [tilespmem:s16+$0x100]  }
0x81: {  	v14 =	vld [tilespmem:s16+$0x80]  }
0x82: {  	v15 =	vld [tilespmem:s16+$0x380]  }
0x83: {  	v16 =	vld [tilespmem:s16+$0x280]  }
0x84: {  	v17 =	vld [tilespmem:s16+$0x8200]  }
0x85: {  	v9 =	vadd.f32 v10, v9;
	v10 =	vld [tilespmem:s16+$0x300]  }
0x86: {  	v12 =	vadd.f32 v12, v13;
	v13 =	vld [tilespmem:s16+$0x8300]  }
0x87: {  	[tilespmem:s16+$0x10180] =	vst v9;
	v11 =	vadd.f32 v11, v14  }
0x88: {  	v8 =	vadd.f32 v8, v15;
	[tilespmem:s16+$0x10100] =	vst v12  }
0x89: {  	v7 =	vadd.f32 v17, v7;
	[tilespmem:s16+$0x10080] =	vst v11  }
0x8a: {  	v6 =	vadd.f32 v6, v16;
	[tilespmem:s16+$0x10380] =	vst v8  }
0x8b: {  	[tilespmem:s16+$0x10200] =	vst v7;
	v7 =	vadd.f32 v13, v10  }
0x8c: {  	[tilespmem:s16+$0x10280] =	vst v6  }
0x8d: {  	s1 =	sor.u32 $0x380, s24;
	[tilespmem:s16+$0x10300] =	vst v7  }
0x8e: {  	v6 =	vld [tilespmem:s1+$0x80]  }
0x8f: {  	v7 =	vld [tilespmem:s1+$0x8080];
	_ =	sdelay $0x4  }
0x90: {  	s12 =	simm.s32 $0x0;
	v6 =	vadd.f32 v7, v6  }
0x91: {  	s29 =	sand.u32 $0x70, s12;
	s30 =	sand.u32 $0x1C00, s12;
	s16 =	sshll.u32 s10, $0x7  }
0x92: {  	s24 =	sor.u32 s29, s30;
	s28 =	sadd.s32 s5, s16;
	[tilespmem:s1+$0x10080] =	vst v6  }
0x93: {  	[hbm4b:s28+s12] =	stream.linear.scatter [tilespmem:s19], [sflag:$0x3], $0x2000, $0x38;
	[tilespmem:$0x18080] =	vst v63  }
0x94: {  	v8 =	vld [tilespmem:s24+$0xA380]  }
0x95: {  	v6 =	vld [tilespmem:s24+$0xA280]  }
0x96: {  	v7 =	vld [tilespmem:s24+$0x2200]  }
0x97: {  	v9 =	vld [tilespmem:s24+$0x2180]  }
0x98: {  	v10 =	vld [tilespmem:s24+$0xA180]  }
0x99: {  	v12 =	vld [tilespmem:s24+$0xA100]  }
0x9a: {  	s25 =	sor.u32 s12, s12;
	s1 =	simm.s32 $0x10;
	v11 =	vld [tilespmem:s24+$0xA080]  }
.LBB2_5:
0x9b: {  	p1 =	sne.s32 s1, $0x3F0  }
0x9c: {  	v13 =	vld [tilespmem:s24+$0x2100];
	s12 =	sadd.s32 $0x80, s12;
	s26 =	smov.u32 s1;
	s1 =	sadd.s32 $0x10, s1  }
0x9d: {  	s28 =	sor.u32 s12, s26;
	v14 =	vld [tilespmem:s24+$0x2080]  }
0x9e: {  	v15 =	vld [tilespmem:s24+$0x2380]  }
0x9f: {  	v16 =	vld [tilespmem:s24+$0x2280]  }
0xa0: {  	v17 =	vld [tilespmem:s24+$0xA200]  }
0xa1: {  	v12 =	vadd.f32 v12, v13;
	v13 =	vld [tilespmem:s24+$0xA300]  }
0xa2: {  	v9 =	vadd.f32 v10, v9;
	v11 =	vadd.f32 v11, v14;
	v10 =	vld [tilespmem:s24+$0x2300]  }
0xa3: {  	[tilespmem:s24+$0x12100] =	vst v12;
	v8 =	vadd.f32 v8, v15  }
0xa4: {  	[tilespmem:s24+$0x12180] =	vst v9;
	v6 =	vadd.f32 v6, v16  }
0xa5: {  	[tilespmem:s24+$0x12080] =	vst v11;
	v7 =	vadd.f32 v17, v7  }
0xa6: {  	[tilespmem:s24+$0x12380] =	vst v8  }
0xa7: {  	[tilespmem:s24+$0x12200] =	vst v7;
	v7 =	vadd.f32 v13, v10  }
0xa8: {  	[tilespmem:s24+$0x12280] =	vst v6  }
0xa9: {  	s30 =	sor.u32 $0x2380, s25;
	s26 =	sand.u32 $0x70, s26;
	s29 =	sand.u32 $0x1C00, s12;
	[tilespmem:s24+$0x12300] =	vst v7  }
0xaa: {  	s25 =	smov.u32 s28;
	s24 =	sor.u32 s26, s29;
	v6 =	vld [tilespmem:s30+$0x80]  }
0xab: {  	v7 =	vld [tilespmem:s30+$0x8080];
	_ =	sdelay $0x4  }
0xac: {  	v6 =	vadd.f32 v7, v6;
	_ =	sdelay $0x1  }
0xad: {  	[tilespmem:s30+$0x10080] =	vst v6  }
0xae: {  	v8 =	vld [tilespmem:s24+$0xA380]  }
0xaf: {  	v6 =	vld [tilespmem:s24+$0xA280]  }
.Ltmp3:
0xb0: {  	v7 =	vld [tilespmem:s24+$0x2200];
	(pc) =	sbr.rel @p1 .LBB2_5-.Ltmp3, $4  }
0xb1: {  	v9 =	vld [tilespmem:s24+$0x2180]  }
0xb2: {  	v10 =	vld [tilespmem:s24+$0xA180]  }
0xb3: {  	v12 =	vld [tilespmem:s24+$0xA100]  }
0xb4: {  	v11 =	vld [tilespmem:s24+$0xA080]  }
0xb5: {  	v13 =	vld [tilespmem:s24+$0x2100]  }
0xb6: {  	v14 =	vld [tilespmem:s24+$0x2080]  }
0xb7: {  	v15 =	vld [tilespmem:s24+$0x2380]  }
0xb8: {  	v16 =	vld [tilespmem:s24+$0x2280]  }
0xb9: {  	v17 =	vld [tilespmem:s24+$0xA200]  }
0xba: {  	v9 =	vadd.f32 v10, v9;
	v10 =	vld [tilespmem:s24+$0x2300]  }
0xbb: {  	v12 =	vadd.f32 v12, v13;
	v13 =	vld [tilespmem:s24+$0xA300]  }
0xbc: {  	[tilespmem:s24+$0x12180] =	vst v9;
	v11 =	vadd.f32 v11, v14  }
0xbd: {  	v8 =	vadd.f32 v8, v15;
	[tilespmem:s24+$0x12100] =	vst v12  }
0xbe: {  	v7 =	vadd.f32 v17, v7;
	[tilespmem:s24+$0x12080] =	vst v11  }
0xbf: {  	v6 =	vadd.f32 v6, v16;
	[tilespmem:s24+$0x12380] =	vst v8  }
0xc0: {  	[tilespmem:s24+$0x12200] =	vst v7;
	v7 =	vadd.f32 v13, v10  }
0xc1: {  	p1 =	seq.s32 s15, $0x3F;
	[tilespmem:s24+$0x12280] =	vst v6  }
0xc2: {  	s1 =	sor.u32 $0x2380, s25;
	s12 =	sadd.s32 @!p1 $0x20, s10;
	[tilespmem:s24+$0x12300] =	vst v7  }
0xc3: {  	v7 =	vadd.s32 @!p1 s12, v4;
	v6 =	vld [tilespmem:s1+$0x80]  }
0xc4: {  	v8 =	vld [tilespmem:s1+$0x8080];
	v9 =	vshll.u32 @!p1 v7, $0x3  }
0xc5: {  	v10 =	vlaneseq.u32 @!p1;
	v7 =	vand.u32 @!p1 $0x7, v7;
	v9 =	vand.u32 @!p1 $0xFFFFFFC0, v9  }
0xc6: {  	v11 =	vshrl.u32 @!p1 v10, $0x3;
	v7 =	vor.u32 @!p1 v7, v9;
	v9 =	vand.u32 @!p1 $0x7, v10  }
0xc7: {  	v11 =	vmul.u32 @!p1 $0x8, v11;
	v9 =	vperm.xlane @!p1 v7, v9;
	_ =	sdelay $0x1  }
0xc8: {  	v6 =	vadd.f32 v8, v6;
	v8 =	vadd.s32 @!p1 v11, v9;
	_ =	sdelay $0x1  }
0xc9: {  	s28 =	sadd.s32 s16, s13;
	[tilespmem:s1+$0x10080] =	vst v6  }
0xca: {  	[hbm4b:s28+s6] =	stream.linear.scatter [tilespmem:s20], [sflag:$0x3], $0x2000, $0x38;
	[tilespmem:$0x18080] =	vst v63  }
0xcb: {  	vm1 =	vmmov @!p1 $0xffff;
	s24 =	simm.s32 @!p1 $0x80;
	s1 =	simm.s32 @!p1 $0x0  }
0xcc: {  	v6 =	vor.u32 @!p1 $0x8, v10;
	[tilespmem:s24], [sflag:$0x1] =	stream.indirect_vreg.gather @!p1 [hbm4b:s3+s1], $0x80, v8, vm1, $0xb8;
	[tilespmem:$0x18080] =	vst v63  }
0xcd: {  	v6 =	vperm.xlane @!p1 v7, v6;
	s24 =	simm.s32 @!p1 $0x880  }
0xce: {  	[tilespmem:s24], [sflag:$0x1] =	stream.indirect_vreg.gather @!p1 [hbm4b:s8+s1], $0x80, v8, vm1, $0xb8;
	[tilespmem:$0x18080] =	vst v63  }
0xcf: {  	v6 =	vadd.s32 @!p1 v11, v6;
	s24 =	simm.s32 @!p1 $0x1080  }
0xd0: {  	[tilespmem:s24], [sflag:$0x1] =	stream.indirect_vreg.gather @!p1 [hbm4b:s9+s1], $0x80, v8, vm1, $0xb8;
	[tilespmem:$0x18080] =	vst v63  }
0xd1: {  	s24 =	simm.s32 @!p1 $0x1880  }
0xd2: {  	[tilespmem:s24], [sflag:$0x1] =	stream.indirect_vreg.gather @!p1 [hbm4b:s11+s1], $0x80, v8, vm1, $0xb8;
	[tilespmem:$0x18080] =	vst v63  }
0xd3: {  	s24 =	simm.s32 @!p1 $0x2080  }
0xd4: {  	[tilespmem:s24], [sflag:$0x1] =	stream.indirect_vreg.gather @!p1 [hbm4b:s3+s1], $0x80, v6, vm1, $0xb8;
	[tilespmem:$0x18080] =	vst v63  }
0xd5: {  	s24 =	simm.s32 @!p1 $0x2880  }
0xd6: {  	[tilespmem:s24], [sflag:$0x1] =	stream.indirect_vreg.gather @!p1 [hbm4b:s8+s1], $0x80, v6, vm1, $0xb8;
	[tilespmem:$0x18080] =	vst v63  }
0xd7: {  	s24 =	simm.s32 @!p1 $0x3080  }
0xd8: {  	[tilespmem:s24], [sflag:$0x1] =	stream.indirect_vreg.gather @!p1 [hbm4b:s9+s1], $0x80, v6, vm1, $0xb8;
	[tilespmem:$0x18080] =	vst v63  }
0xd9: {  	s24 =	simm.s32 @!p1 $0x3880  }
0xda: {  	[tilespmem:s24], [sflag:$0x1] =	stream.indirect_vreg.gather @!p1 [hbm4b:s11+s1], $0x80, v6, vm1, $0xb8;
	[tilespmem:$0x18080] =	vst v63  }
0xdb: {  	s12 =	sshll.u32 @!p1 s12, $0x7;
	s24 =	rddreg [dreg:$0x0]  }
0xdc: {  	s12 =	sadd.s32 @!p1 s24, s12;
	s24 =	simm.s32 @!p1 $0x8080  }
0xdd: {  	[tilespmem:s24], [sflag:$0x1] =	stream.linear.gather @!p1 [hbm4b:s12+s1], $0x4000, $0x38;
	[tilespmem:$0x18080] =	vst v63  }
0xde: {  	_ =	swait.ge [sflag:s21], $0x4000  }
0xdf: {  	[sflag:s21] =	ssyncset.done $0x0  }
0xe0: {  	[sflag:s21] =	ssyncadd.s32 $0xFFFFC000  }
0xe1: {  	_ =	swait.ge [sflag:s21], $0x4000  }
0xe2: {  	[sflag:s21] =	ssyncset.done $0x0  }
0xe3: {  	s1 =	simm.s32 @!p0 $0x4;
	[sflag:s21] =	ssyncadd.s32 $0xFFFFC000  }
0xe4: {  	_ =	swait.ge @!p0 [sflag:s1], $0x2000  }
0xe5: {  	[sflag:s1] =	ssyncset.done @!p0 $0x0  }
0xe6: {  	[sflag:s1] =	ssyncadd.s32 @!p0 $0xFFFFE000  }
0xe7: {  	s12 =	simm.s32 $0x0;
	_ =	swait.ge @!p0 [sflag:s1], $0x2000  }
0xe8: {  	s29 =	sand.u32 $0x70, s12;
	s30 =	sand.u32 $0x1C00, s12;
	[sflag:s1] =	ssyncset.done @!p0 $0x0  }
0xe9: {  	s24 =	sor.u32 s29, s30;
	[sflag:s1] =	ssyncadd.s32 @!p0 $0xFFFFE000  }
0xea: {  	v8 =	vld [tilespmem:s24+$0xC380]  }
0xeb: {  	v6 =	vld [tilespmem:s24+$0xC280]  }
0xec: {  	v7 =	vld [tilespmem:s24+$0x4200]  }
0xed: {  	v9 =	vld [tilespmem:s24+$0x4180]  }
0xee: {  	v10 =	vld [tilespmem:s24+$0xC180]  }
0xef: {  	v12 =	vld [tilespmem:s24+$0xC100]  }
0xf0: {  	s25 =	sor.u32 s12, s12;
	s1 =	simm.s32 $0x10;
	v11 =	vld [tilespmem:s24+$0xC080]  }
.LBB2_7:
0xf1: {  	p0 =	sne.s32 s1, $0x3F0  }
0xf2: {  	v13 =	vld [tilespmem:s24+$0x4100];
	s12 =	sadd.s32 $0x80, s12;
	s26 =	smov.u32 s1;
	s1 =	sadd.s32 $0x10, s1  }
0xf3: {  	s28 =	sor.u32 s12, s26;
	v14 =	vld [tilespmem:s24+$0x4080]  }
0xf4: {  	v15 =	vld [tilespmem:s24+$0x4380]  }
0xf5: {  	v16 =	vld [tilespmem:s24+$0x4280]  }
0xf6: {  	v17 =	vld [tilespmem:s24+$0xC200]  }
0xf7: {  	v12 =	vadd.f32 v12, v13;
	v13 =	vld [tilespmem:s24+$0xC300]  }
0xf8: {  	v9 =	vadd.f32 v10, v9;
	v11 =	vadd.f32 v11, v14;
	v10 =	vld [tilespmem:s24+$0x4300]  }
0xf9: {  	[tilespmem:s24+$0x14100] =	vst v12;
	v8 =	vadd.f32 v8, v15  }
0xfa: {  	[tilespmem:s24+$0x14180] =	vst v9;
	v6 =	vadd.f32 v6, v16  }
0xfb: {  	[tilespmem:s24+$0x14080] =	vst v11;
	v7 =	vadd.f32 v17, v7  }
0xfc: {  	[tilespmem:s24+$0x14380] =	vst v8  }
0xfd: {  	[tilespmem:s24+$0x14200] =	vst v7;
	v7 =	vadd.f32 v13, v10  }
0xfe: {  	[tilespmem:s24+$0x14280] =	vst v6  }
0xff: {  	s30 =	sor.u32 $0x4380, s25;
	s26 =	sand.u32 $0x70, s26;
	s29 =	sand.u32 $0x1C00, s12;
	[tilespmem:s24+$0x14300] =	vst v7  }
0x100: {  	s25 =	smov.u32 s28;
	s24 =	sor.u32 s26, s29;
	v6 =	vld [tilespmem:s30+$0x80]  }
0x101: {  	v7 =	vld [tilespmem:s30+$0x8080];
	_ =	sdelay $0x4  }
0x102: {  	v6 =	vadd.f32 v7, v6;
	_ =	sdelay $0x1  }
0x103: {  	[tilespmem:s30+$0x10080] =	vst v6  }
0x104: {  	v8 =	vld [tilespmem:s24+$0xC380]  }
0x105: {  	v6 =	vld [tilespmem:s24+$0xC280]  }
.Ltmp4:
0x106: {  	v7 =	vld [tilespmem:s24+$0x4200];
	(pc) =	sbr.rel @p0 .LBB2_7-.Ltmp4, $4  }
0x107: {  	v9 =	vld [tilespmem:s24+$0x4180]  }
0x108: {  	v10 =	vld [tilespmem:s24+$0xC180]  }
0x109: {  	v12 =	vld [tilespmem:s24+$0xC100]  }
0x10a: {  	v11 =	vld [tilespmem:s24+$0xC080]  }
0x10b: {  	v13 =	vld [tilespmem:s24+$0x4100]  }
0x10c: {  	v14 =	vld [tilespmem:s24+$0x4080]  }
0x10d: {  	v15 =	vld [tilespmem:s24+$0x4380]  }
0x10e: {  	v16 =	vld [tilespmem:s24+$0x4280]  }
0x10f: {  	v17 =	vld [tilespmem:s24+$0xC200]  }
0x110: {  	v9 =	vadd.f32 v10, v9;
	v10 =	vld [tilespmem:s24+$0x4300]  }
0x111: {  	v12 =	vadd.f32 v12, v13;
	v13 =	vld [tilespmem:s24+$0xC300]  }
0x112: {  	[tilespmem:s24+$0x14180] =	vst v9;
	v11 =	vadd.f32 v11, v14  }
0x113: {  	v8 =	vadd.f32 v8, v15;
	[tilespmem:s24+$0x14100] =	vst v12  }
0x114: {  	v7 =	vadd.f32 v17, v7;
	[tilespmem:s24+$0x14080] =	vst v11  }
0x115: {  	v6 =	vadd.f32 v6, v16;
	[tilespmem:s24+$0x14380] =	vst v8  }
0x116: {  	[tilespmem:s24+$0x14200] =	vst v7;
	v7 =	vadd.f32 v13, v10  }
0x117: {  	[tilespmem:s24+$0x14280] =	vst v6  }
0x118: {  	s1 =	sor.u32 $0x4380, s25;
	[tilespmem:s24+$0x14300] =	vst v7  }
0x119: {  	v6 =	vld [tilespmem:s1+$0x80]  }
0x11a: {  	v7 =	vld [tilespmem:s1+$0x8080];
	_ =	sdelay $0x4  }
0x11b: {  	s12 =	simm.s32 $0x0;
	v6 =	vadd.f32 v7, v6  }
0x11c: {  	s16 =	sor.u32 $0x800, s16;
	s29 =	sand.u32 $0x70, s12;
	s30 =	sand.u32 $0x1C00, s12  }
0x11d: {  	s28 =	sadd.s32 s5, s16;
	s24 =	sor.u32 s29, s30;
	[tilespmem:s1+$0x10080] =	vst v6  }
0x11e: {  	[hbm4b:s28+s12] =	stream.linear.scatter [tilespmem:s22], [sflag:$0x4], $0x2000, $0x38;
	[tilespmem:$0x18080] =	vst v63  }
0x11f: {  	v8 =	vld [tilespmem:s24+$0xE380]  }
0x120: {  	v6 =	vld [tilespmem:s24+$0xE280]  }
0x121: {  	v7 =	vld [tilespmem:s24+$0x6200]  }
0x122: {  	v9 =	vld [tilespmem:s24+$0x6180]  }
0x123: {  	v10 =	vld [tilespmem:s24+$0xE180]  }
0x124: {  	v12 =	vld [tilespmem:s24+$0xE100]  }
0x125: {  	s25 =	sor.u32 s12, s12;
	s1 =	simm.s32 $0x10;
	v11 =	vld [tilespmem:s24+$0xE080]  }
.LBB2_9:
0x126: {  	p0 =	sne.s32 s1, $0x3F0  }
0x127: {  	v13 =	vld [tilespmem:s24+$0x6100];
	s12 =	sadd.s32 $0x80, s12;
	s26 =	smov.u32 s1;
	s1 =	sadd.s32 $0x10, s1  }
0x128: {  	s28 =	sor.u32 s12, s26;
	v14 =	vld [tilespmem:s24+$0x6080]  }
0x129: {  	v15 =	vld [tilespmem:s24+$0x6380]  }
0x12a: {  	v16 =	vld [tilespmem:s24+$0x6280]  }
0x12b: {  	v17 =	vld [tilespmem:s24+$0xE200]  }
0x12c: {  	v12 =	vadd.f32 v12, v13;
	v13 =	vld [tilespmem:s24+$0xE300]  }
0x12d: {  	v9 =	vadd.f32 v10, v9;
	v11 =	vadd.f32 v11, v14;
	v10 =	vld [tilespmem:s24+$0x6300]  }
0x12e: {  	[tilespmem:s24+$0x16100] =	vst v12;
	v8 =	vadd.f32 v8, v15  }
0x12f: {  	[tilespmem:s24+$0x16180] =	vst v9;
	v6 =	vadd.f32 v6, v16  }
0x130: {  	[tilespmem:s24+$0x16080] =	vst v11;
	v7 =	vadd.f32 v17, v7  }
0x131: {  	[tilespmem:s24+$0x16380] =	vst v8  }
0x132: {  	[tilespmem:s24+$0x16200] =	vst v7;
	v7 =	vadd.f32 v13, v10  }
0x133: {  	[tilespmem:s24+$0x16280] =	vst v6  }
0x134: {  	s30 =	sor.u32 $0x6380, s25;
	s26 =	sand.u32 $0x70, s26;
	s29 =	sand.u32 $0x1C00, s12;
	[tilespmem:s24+$0x16300] =	vst v7  }
0x135: {  	s25 =	smov.u32 s28;
	s24 =	sor.u32 s26, s29;
	v6 =	vld [tilespmem:s30+$0x80]  }
0x136: {  	v7 =	vld [tilespmem:s30+$0x8080];
	_ =	sdelay $0x4  }
0x137: {  	v6 =	vadd.f32 v7, v6;
	_ =	sdelay $0x1  }
0x138: {  	[tilespmem:s30+$0x10080] =	vst v6  }
0x139: {  	v8 =	vld [tilespmem:s24+$0xE380]  }
0x13a: {  	v6 =	vld [tilespmem:s24+$0xE280]  }
.Ltmp5:
0x13b: {  	v7 =	vld [tilespmem:s24+$0x6200];
	(pc) =	sbr.rel @p0 .LBB2_9-.Ltmp5, $4  }
0x13c: {  	v9 =	vld [tilespmem:s24+$0x6180]  }
0x13d: {  	v10 =	vld [tilespmem:s24+$0xE180]  }
0x13e: {  	v12 =	vld [tilespmem:s24+$0xE100]  }
0x13f: {  	v11 =	vld [tilespmem:s24+$0xE080]  }
0x140: {  	v13 =	vld [tilespmem:s24+$0x6100]  }
0x141: {  	v14 =	vld [tilespmem:s24+$0x6080]  }
0x142: {  	v15 =	vld [tilespmem:s24+$0x6380]  }
0x143: {  	v16 =	vld [tilespmem:s24+$0x6280]  }
0x144: {  	v17 =	vld [tilespmem:s24+$0xE200]  }
0x145: {  	v62 =	vld [tilespmem:s24+$0xE300];
	v9 =	vadd.f32 v10, v9  }
0x146: {  	v63 =	vld [tilespmem:s24+$0x6300];
	v12 =	vadd.f32 v12, v13  }
0x147: {  	[tilespmem:s24+$0x16180] =	vst v9;
	v11 =	vadd.f32 v11, v14  }
0x148: {  	v8 =	vadd.f32 v8, v15;
	[tilespmem:s24+$0x16100] =	vst v12  }
0x149: {  	v7 =	vadd.f32 v17, v7;
	[tilespmem:s24+$0x16080] =	vst v11  }
0x14a: {  	v6 =	vadd.f32 v6, v16;
	[tilespmem:s24+$0x16380] =	vst v8  }
0x14b: {  	[tilespmem:s24+$0x16200] =	vst v7;
	v7 =	vadd.f32 v62, v63  }
0x14c: {  	[tilespmem:s24+$0x16280] =	vst v6  }
0x14d: {  	s1 =	sor.u32 $0x6380, s25;
	[tilespmem:s24+$0x16300] =	vst v7  }
0x14e: {  	v6 =	vld [tilespmem:s1+$0x80]  }
0x14f: {  	v7 =	vld [tilespmem:s1+$0x8080];
	_ =	sdelay $0x3  }
.Ltmp6:
0x150: {  	_ = 	snop;
	(pc) =	sbr.rel @p1 .LBB2_12-.Ltmp6, $3  }
0x151: {  	v6 =	vadd.f32 v7, v6;
	_ =	sdelay $0x1  }
0x152: {  	s30 =	sadd.s32 s16, s13;
	[tilespmem:s1+$0x10080] =	vst v6  }
0x153: {  	[hbm4b:s30+s6] =	stream.linear.scatter [tilespmem:s23], [sflag:$0x4], $0x2000, $0x38;
	[tilespmem:$0x18080] =	vst v63  }
0x154: {  	s1 =	sadd.s32 $0x20, s10  }
0x155: {  	v6 =	vadd.s32 s1, v5  }
0x156: {  	v7 =	vshll.u32 v6, $0x3  }
0x157: {  	v6 =	vand.u32 $0x7, v6;
	v7 =	vand.u32 $0xFFFFFFC0, v7  }
0x158: {  	v6 =	vor.u32 v6, v7  }
0x159: {  	v7 =	vperm.xlane v6, v1;
	_ =	sdelay $0x1  }
0x15a: {  	v7 =	vadd.s32 v2, v7;
	_ =	sdelay $0x3  }
0x15b: {  	s25 =	simm.s32 $0x4080  }
0x15c: {  	[tilespmem:s25], [sflag:$0x2] =	stream.indirect_vreg.gather [hbm4b:s3+s6], $0x80, v7, vm0, $0xb8;
	[tilespmem:$0x18080] =	vst v63  }
0x15d: {  	s26 =	simm.s32 $0x4880;
	v6 =	vperm.xlane v6, v3  }
0x15e: {  	[tilespmem:s26], [sflag:$0x2] =	stream.indirect_vreg.gather [hbm4b:s8+s6], $0x80, v7, vm0, $0xb8;
	[tilespmem:$0x18080] =	vst v63  }
0x15f: {  	s28 =	simm.s32 $0x5080;
	v6 =	vadd.s32 v2, v6  }
0x160: {  	[tilespmem:s28], [sflag:$0x2] =	stream.indirect_vreg.gather [hbm4b:s9+s6], $0x80, v7, vm0, $0xb8;
	[tilespmem:$0x18080] =	vst v63  }
0x161: {  	s29 =	simm.s32 $0x5880  }
0x162: {  	[tilespmem:s29], [sflag:$0x2] =	stream.indirect_vreg.gather [hbm4b:s11+s6], $0x80, v7, vm0, $0xb8;
	[tilespmem:$0x18080] =	vst v63  }
0x163: {  	_ = 	snop  }
0x164: {  	[tilespmem:s31], [sflag:$0x2] =	stream.indirect_vreg.gather [hbm4b:s3+s6], $0x80, v6, vm0, $0xb8;
	[tilespmem:$0x18080] =	vst v63  }
0x165: {  	_ = 	snop  }
0x166: {  	[tilespmem:s0], [sflag:$0x2] =	stream.indirect_vreg.gather [hbm4b:s8+s6], $0x80, v6, vm0, $0xb8;
	[tilespmem:$0x18080] =	vst v63  }
0x167: {  	_ = 	snop  }
0x168: {  	[tilespmem:s4], [sflag:$0x2] =	stream.indirect_vreg.gather [hbm4b:s9+s6], $0x80, v6, vm0, $0xb8;
	[tilespmem:$0x18080] =	vst v63  }
.Ltmp7:
0x169: {  	_ = 	snop;
	(pc) =	sbr.rel .LBB2_2-.Ltmp7, $4  }
0x16a: {  	_ = 	snop  }
0x16b: {  	[tilespmem:s2], [sflag:$0x2] =	stream.indirect_vreg.gather [hbm4b:s11+s6], $0x80, v6, vm0, $0xb8;
	[tilespmem:$0x18080] =	vst v63  }
0x16c: {  	s30 =	sadd.s32 s16, s14;
	s15 =	sadd.s32 $0x1, s15  }
0x16d: {  	[tilespmem:s17], [sflag:$0x2] =	stream.linear.gather [hbm4b:s30+s6], $0x4000, $0x38;
	[tilespmem:$0x18080] =	vst v63  }
.LBB2_13:
0x16e: {  	_ =	sfence.sel $0x180000  }
0x16f: {  	[bflag:$0x0] =	sbarrier.arrive $0xFFFF  }
0x170: {  	_ =	strace $0x90000047  }
0x171: {  	s0 =	stileid.u32;
	[bflag:$0x2] =	sbarrier.arrive $0xFFFF  }
0x172: {  	p0 =	sne.s32 s0, $0x0;
	s0 =	rddreg [dreg:$0x4]  }
0x173: {  	s0 =	sadd.s32 @!p0 $0x100000, s0  }
0x174: {  	[sflag:s0] =	ssyncadd.tile.s32 @!p0 $0x1;
	_ =	shalt  }
.Lfunc_end2:
_tile_overlayer_lowered:
.L_overlay_start_2:
0x175: {  	(tag) =	ssettag $0x2  }
0x176: {  	s0 =	rddreg [dreg:$0x0];
	s2 =	stileid.u32  }
0x177: {  	s1 =	rddreg [dreg:$0x1];
	p0 =	sne.s32 s2, $0x0  }
0x178: {  	s3 =	rddreg [dreg:$0x2];
	[bflag:$0x3] =	sbarrier.arrive $0xFFFF;
	s2 =	simm.s32 @!p0 $0x1C05  }
0x179: {  	[timem:s3], [sflag:s2] =	dma.local @!p0 [hbm:s0], s1  }
0x17a: {  	s0 =	simm.s32 @!p0 $0x5  }
0x17b: {  	_ =	swait.ge @!p0 [sflag:s0], s1  }
0x17c: {  	s1 =	ssub.s32 @!p0 $0x0, s1;
	[sflag:s0] =	ssyncset.done @!p0 $0x0  }
0x17d: {  	[sflag:s0] =	ssyncadd.s32 @!p0 s1  }
0x17e: {  	[bflag:$0x3] =	sbarrier.arrive $0xFFFF  }
0x17f: {  	_ =	shalt  }

</sc_bundles>
